<compile_context>
chip_gen: v7x
topology: tpu7x:2x2x1
jax: 0.10.2.dev20260603
libtpu: 0.0.44.dev20260713+nightly
codegen_flags: <defaults>
</compile_context>

<pallas_src>
import functools

import jax
import jax.numpy as jnp
from jax import lax
from jax.experimental import pallas as pl
from jax.experimental.pallas import tpu as pltpu
from jax.experimental.pallas import tpu_sc as plsc

_NC = 2
_NS = 16
_NW = _NC * _NS
_LANES = 16
_RING = 4


@functools.cache
def _gather_pool_kernel(n: int, v: int, d: int):
    dh = d // 2
    chunk = 128
    per_w = n // _NW
    n_chunk = per_w // chunk
    n_rg = n_chunk // _RING
    assert per_w * _NW == n and n_rg * _RING == n_chunk

    mesh = plsc.VectorSubcoreMesh(
        core_axis_name="c", subcore_axis_name="s",
        num_cores=_NC, num_subcores=_NS,
    )

    @functools.partial(
        pl.kernel,
        out_type=(
            jax.ShapeDtypeStruct((n, d), jnp.float32),
            jax.ShapeDtypeStruct((n, dh), jnp.float32),
        ),
        mesh=mesh,
        scratch_types=[
            pltpu.VMEM((n_chunk, chunk), jnp.int32),
            pltpu.VMEM((_RING, chunk, d), jnp.float32),
            pltpu.VMEM((2, chunk, dh), jnp.float32),
        ] + [pltpu.SemaphoreType.DMA] * (2 * _RING + 2),
        compiler_params=pltpu.CompilerParams(needs_layout_passes=False),
    )
    def gather_k(idx_hbm, t_hbm, x_hbm, p_hbm, idxb, xb, pb, *sems):
        sem_g, sem_wx, sem_wp = sems[:_RING], sems[_RING:2 * _RING], sems[2 * _RING:]
        wid = lax.axis_index("s") * _NC + lax.axis_index("c")
        base = wid * per_w
        lane = lax.iota(jnp.int32, _LANES)

        def issue_gather(c, slot):
            pltpu.async_copy(t_hbm.at[idxb.at[c, :]], xb.at[slot], sem_g[slot])

        def wait_gather(slot):
            pltpu.make_async_copy(
                t_hbm.at[idxb.at[0, :]], xb.at[slot], sem_g[slot]).wait()

        def wait_wx(slot):
            pltpu.make_async_copy(
                xb.at[slot], x_hbm.at[pl.ds(0, chunk)], sem_wx[slot]).wait()

        def wait_wp(ps):
            pltpu.make_async_copy(
                pb.at[ps], p_hbm.at[pl.ds(0, chunk)], sem_wp[ps]).wait()

        def pool(slot, ps):
            def pool_row(r):
                rvec = jnp.broadcast_to(r, (_LANES,))
                for c2 in range(dh // _LANES):
                    ev = 32 * c2 + 2 * lane
                    e = plsc.load_gather(xb.at[slot], [rvec, ev])
                    o = plsc.load_gather(xb.at[slot], [rvec, ev + 1])
                    pb[ps, r, pl.ds(c2 * _LANES, _LANES)] = (
                        jnp.maximum(e, o))
            pl.loop(0, chunk)(pool_row)

        pltpu.sync_copy(idx_hbm.at[pl.ds(wid * n_chunk, n_chunk), :], idxb)
        for s in range(_RING - 1):
            issue_gather(s, s)

        def rg_body(rg):
            for s in range(_RING):
                c = rg * _RING + s
                wait_gather(s)
                s2 = (s + _RING - 1) % _RING
                if s == 0:
                    def pf0():
                        wait_wx(s2)
                        issue_gather(rg * _RING + _RING - 1, s2)
                    pl.when(rg > 0)(pf0)
                    pl.when(rg == 0)(
                        lambda: issue_gather(_RING - 1, s2))
                else:
                    def pf(s=s, s2=s2):
                        wait_wx(s2)
                        issue_gather((rg + 1) * _RING + s - 1, s2)
                    pl.when(rg < n_rg - 1)(pf)
                ps = s % 2
                if s < 2:
                    pl.when(rg > 0)(lambda ps=ps: wait_wp(ps))
                else:
                    wait_wp(ps)
                pool(s, ps)
                off = base + c * chunk
                pltpu.async_copy(xb.at[s], x_hbm.at[pl.ds(off, chunk)],
                                 sem_wx[s])
                pltpu.async_copy(pb.at[ps], p_hbm.at[pl.ds(off, chunk)],
                                 sem_wp[ps])

        pl.loop(0, n_rg)(rg_body)
        for s in range(_RING):
            wait_wx(s)
        for ps in range(2):
            wait_wp(ps)

    return gather_k


def kernel(inputs, table):
    b, l = inputs.shape
    v, d = table.shape
    n = b * l
    idx128 = inputs.reshape(n // 128, 128)
    x_flat, p_flat = _gather_pool_kernel(n, v, d)(idx128, table)
    return x_flat.reshape(b, l, d), p_flat.reshape(b, l, d // 2)

# --- scband reference (transcript-rebuilt; emitter-appended) ---
"""Pipeline reference for scband-text-encoder-block-40398462386334 (READ-ONLY COPY).

The authoritative reference and input builder live on the scoring server;
editing this copy changes nothing except your own understanding.
"""

import jax, jax.numpy as jnp
import numpy as np

B, L, V, D = 4096, 200, 262, 128

def setup_inputs(seed: int = 0) -> dict:
    key = jax.random.key(seed)
    k1, k2 = jax.random.split(key)
    inputs = jax.random.randint(k1, (B, L), 0, V, dtype=jnp.int32)
    table = jax.random.normal(k2, (V, D), dtype=jnp.float32) * 0.02
    return {"inputs": inputs, "table": table}

def reference(inputs, table):
    # nn.Embedding lookup -> gather rows of table
    x = jnp.take(table, inputs, axis=0)              # [B, L, D]
    # nn.MaxPool1d(2) on a 3D input pools over the LAST dim (D) with kernel=stride=2
    b, l, d = x.shape
    p = x.reshape(b, l, d // 2, 2).max(axis=-1)      # [B, L, D//2]
    return (x, p)

if __name__ == "__main__":
    import jax
    _d = setup_inputs()
    print(jax.jit(kernel)(*tuple(_d.values())))

</pallas_src>

<mosaic_0001>
#map = affine_map<(d0, d1) -> (0, 0)>
module attributes {stable_mosaic.version = 14 : i64} {
  func.func @gather_k(%arg0: i32, %arg1: i32, %arg2: memref<6400x128xi32, #tpu.memory_space<hbm>>, %arg3: memref<262x128xf32, #tpu.memory_space<hbm>>, %arg4: memref<819200x128xf32, #tpu.memory_space<hbm>>, %arg5: memref<819200x64xf32, #tpu.memory_space<hbm>>, %arg6: memref<200x128xi32, #tpu.memory_space<vmem>>, %arg7: memref<4x128x128xf32, #tpu.memory_space<vmem>>, %arg8: memref<2x128x64xf32, #tpu.memory_space<vmem>>, %arg9: memref<!tpu.dma_semaphore, #tpu.memory_space<semaphore_mem>>, %arg10: memref<!tpu.dma_semaphore, #tpu.memory_space<semaphore_mem>>, %arg11: memref<!tpu.dma_semaphore, #tpu.memory_space<semaphore_mem>>, %arg12: memref<!tpu.dma_semaphore, #tpu.memory_space<semaphore_mem>>, %arg13: memref<!tpu.dma_semaphore, #tpu.memory_space<semaphore_mem>>, %arg14: memref<!tpu.dma_semaphore, #tpu.memory_space<semaphore_mem>>, %arg15: memref<!tpu.dma_semaphore, #tpu.memory_space<semaphore_mem>>, %arg16: memref<!tpu.dma_semaphore, #tpu.memory_space<semaphore_mem>>, %arg17: memref<!tpu.dma_semaphore, #tpu.memory_space<semaphore_mem>>, %arg18: memref<!tpu.dma_semaphore, #tpu.memory_space<semaphore_mem>>) attributes {dimension_semantics = [#tpu.dimension_semantics<core_parallel>, #tpu.dimension_semantics<subcore_parallel>], iteration_bounds = array<i64: 2, 16>, scalar_prefetch = 0 : i64, scratch_operands = 13 : i64, tpu.core_type = #tpu.core_type<sc_vector_subcore>, window_params = [{transform_indices = #map}, {transform_indices = #map}, {transform_indices = #map}, {transform_indices = #map}]} {
    %mul3A = arith.constant 2 : i32
    %mul3A_0 = arith.muli %arg1, %mul3A : i32
    %add3A = arith.addi %mul3A_0, %arg0 : i32
    %mul3A_1 = arith.constant 25600 : i32
    %mul3A_2 = arith.muli %add3A, %mul3A_1 : i32
    %iota3A = tpu.iota {dimensions = array<i32: 0>} : vector<16xi32>
    %mul3A_3 = arith.constant 200 : i32
    %mul3A_4 = arith.muli %add3A, %mul3A_3 : i32
    "tpu.region"() ({
      %run_scoped3A = tpu.sem_alloc : memref<!tpu.dma_semaphore, #tpu.memory_space<semaphore_mem>>
      %dma_start3A_133 = arith.constant 0 : i32
      %dma_start3A_134 = tpu.memref_slice %arg2[%mul3A_4, %dma_start3A_133] : memref<6400x128xi32, #tpu.memory_space<hbm>> -> memref<200x128xi32, #tpu.memory_space<hbm>>
      %dma_start3A_135 = arith.constant 0 : i32
      %dma_start3A_136 = tpu.memref_slice %arg2[%mul3A_4, %dma_start3A_135] : memref<6400x128xi32, #tpu.memory_space<hbm>> -> memref<200x128xi32, #tpu.memory_space<hbm>>
      tpu.enqueue_dma source(%dma_start3A_136 : memref<200x128xi32, #tpu.memory_space<hbm>>) target(%arg6 : memref<200x128xi32, #tpu.memory_space<vmem>>) target_semaphore(%run_scoped3A : memref<!tpu.dma_semaphore, #tpu.memory_space<semaphore_mem>>)
      %dma_wait3A_137 = arith.constant 0 : i32
      %dma_wait3A_138 = tpu.memref_slice %arg2[%mul3A_4, %dma_wait3A_137] : memref<6400x128xi32, #tpu.memory_space<hbm>> -> memref<200x128xi32, #tpu.memory_space<hbm>>
      %dma_wait3A_139 = arith.constant 0 : i32
      %dma_wait3A_140 = tpu.memref_slice %arg2[%mul3A_4, %dma_wait3A_139] : memref<6400x128xi32, #tpu.memory_space<hbm>> -> memref<200x128xi32, #tpu.memory_space<hbm>>
      tpu.wait_dma2 semaphore(%run_scoped3A : memref<!tpu.dma_semaphore, #tpu.memory_space<semaphore_mem>>) src(%dma_wait3A_140 : memref<200x128xi32, #tpu.memory_space<hbm>>) dst(%arg6 : memref<200x128xi32, #tpu.memory_space<vmem>>)
      tpu.yield
    }) : () -> ()
    %dma_start3A = arith.constant 0 : i32
    %dma_start3A_5 = arith.constant 0 : i32
    %dma_start3A_6 = arith.constant 0 : i32
    %dma_start3A_7 = arith.constant 0 : i32
    %dma_start3A_8 = tpu.memref_slice %arg7[%dma_start3A_5, %dma_start3A_6, %dma_start3A_7] : memref<4x128x128xf32, #tpu.memory_space<vmem>> -> memref<1x128x128xf32, #tpu.memory_space<vmem>>
    %dma_start3A_9 = tpu.memref_squeeze %dma_start3A_8 : memref<1x128x128xf32, #tpu.memory_space<vmem>> -> memref<128x128xf32, #tpu.memory_space<vmem>>
    %dma_start3A_10 = arith.constant 0 : i32
    %dma_start3A_11 = tpu.memref_slice %arg6[%dma_start3A, %dma_start3A_10] : memref<200x128xi32, #tpu.memory_space<vmem>> -> memref<1x128xi32, #tpu.memory_space<vmem>>
    %dma_start3A_12 = tpu.memref_squeeze %dma_start3A_11 : memref<1x128xi32, #tpu.memory_space<vmem>> -> memref<128xi32, #tpu.memory_space<vmem>>
    %dma_start3A_13 = arith.constant 0 : i32
    %dma_start3A_14 = arith.constant 0 : i32
    %dma_start3A_15 = tpu.memref_slice %arg3[%dma_start3A_13, %dma_start3A_14] : memref<262x128xf32, #tpu.memory_space<hbm>> -> memref<262x128xf32, #tpu.memory_space<hbm>>
    tpu.enqueue_indirect_dma source(%dma_start3A_15 : memref<262x128xf32, #tpu.memory_space<hbm>>) target(%dma_start3A_9 : memref<128x128xf32, #tpu.memory_space<vmem>>) offsets(%dma_start3A_12 : memref<128xi32, #tpu.memory_space<vmem>>) semaphore(%arg9 : memref<!tpu.dma_semaphore, #tpu.memory_space<semaphore_mem>>)
    %dma_start3A_16 = arith.constant 1 : i32
    %dma_start3A_17 = arith.constant 1 : i32
    %dma_start3A_18 = arith.constant 0 : i32
    %dma_start3A_19 = arith.constant 0 : i32
    %dma_start3A_20 = tpu.memref_slice %arg7[%dma_start3A_17, %dma_start3A_18, %dma_start3A_19] : memref<4x128x128xf32, #tpu.memory_space<vmem>> -> memref<1x128x128xf32, #tpu.memory_space<vmem>>
    %dma_start3A_21 = tpu.memref_squeeze %dma_start3A_20 : memref<1x128x128xf32, #tpu.memory_space<vmem>> -> memref<128x128xf32, #tpu.memory_space<vmem>>
    %dma_start3A_22 = arith.constant 0 : i32
    %dma_start3A_23 = tpu.memref_slice %arg6[%dma_start3A_16, %dma_start3A_22] : memref<200x128xi32, #tpu.memory_space<vmem>> -> memref<1x128xi32, #tpu.memory_space<vmem>>
    %dma_start3A_24 = tpu.memref_squeeze %dma_start3A_23 : memref<1x128xi32, #tpu.memory_space<vmem>> -> memref<128xi32, #tpu.memory_space<vmem>>
    %dma_start3A_25 = arith.constant 0 : i32
    %dma_start3A_26 = arith.constant 0 : i32
    %dma_start3A_27 = tpu.memref_slice %arg3[%dma_start3A_25, %dma_start3A_26] : memref<262x128xf32, #tpu.memory_space<hbm>> -> memref<262x128xf32, #tpu.memory_space<hbm>>
    tpu.enqueue_indirect_dma source(%dma_start3A_27 : memref<262x128xf32, #tpu.memory_space<hbm>>) target(%dma_start3A_21 : memref<128x128xf32, #tpu.memory_space<vmem>>) offsets(%dma_start3A_24 : memref<128xi32, #tpu.memory_space<vmem>>) semaphore(%arg10 : memref<!tpu.dma_semaphore, #tpu.memory_space<semaphore_mem>>)
    %dma_start3A_28 = arith.constant 2 : i32
    %dma_start3A_29 = arith.constant 2 : i32
    %dma_start3A_30 = arith.constant 0 : i32
    %dma_start3A_31 = arith.constant 0 : i32
    %dma_start3A_32 = tpu.memref_slice %arg7[%dma_start3A_29, %dma_start3A_30, %dma_start3A_31] : memref<4x128x128xf32, #tpu.memory_space<vmem>> -> memref<1x128x128xf32, #tpu.memory_space<vmem>>
    %dma_start3A_33 = tpu.memref_squeeze %dma_start3A_32 : memref<1x128x128xf32, #tpu.memory_space<vmem>> -> memref<128x128xf32, #tpu.memory_space<vmem>>
    %dma_start3A_34 = arith.constant 0 : i32
    %dma_start3A_35 = tpu.memref_slice %arg6[%dma_start3A_28, %dma_start3A_34] : memref<200x128xi32, #tpu.memory_space<vmem>> -> memref<1x128xi32, #tpu.memory_space<vmem>>
    %dma_start3A_36 = tpu.memref_squeeze %dma_start3A_35 : memref<1x128xi32, #tpu.memory_space<vmem>> -> memref<128xi32, #tpu.memory_space<vmem>>
    %dma_start3A_37 = arith.constant 0 : i32
    %dma_start3A_38 = arith.constant 0 : i32
    %dma_start3A_39 = tpu.memref_slice %arg3[%dma_start3A_37, %dma_start3A_38] : memref<262x128xf32, #tpu.memory_space<hbm>> -> memref<262x128xf32, #tpu.memory_space<hbm>>
    tpu.enqueue_indirect_dma source(%dma_start3A_39 : memref<262x128xf32, #tpu.memory_space<hbm>>) target(%dma_start3A_33 : memref<128x128xf32, #tpu.memory_space<vmem>>) offsets(%dma_start3A_36 : memref<128xi32, #tpu.memory_space<vmem>>) semaphore(%arg11 : memref<!tpu.dma_semaphore, #tpu.memory_space<semaphore_mem>>)
    %scan3A = arith.constant 0 : i32
    %scan3A_40 = arith.constant 50 : i32
    %scan3A_41 = arith.addi %scan3A, %scan3A_40 : i32
    %scan3A_42 = arith.constant 1 : i32
    scf.for %scan3A_133 = %scan3A to %scan3A_41 step %scan3A_42  : i32 {
      %mul3A_134 = arith.constant 1 : i32
      %mul3A_135 = arith.muli %scan3A_133, %mul3A_134 : i32
      %add3A_136 = arith.constant 0 : i32
      %add3A_137 = arith.addi %add3A_136, %mul3A_135 : i32
      %mul3A_138 = arith.constant 4 : i32
      %mul3A_139 = arith.muli %add3A_137, %mul3A_138 : i32
      %add3A_140 = arith.constant 0 : i32
      %add3A_141 = arith.addi %mul3A_139, %add3A_140 : i32
      %dma_wait3A_142 = arith.constant 0 : i32
      %dma_wait3A_143 = arith.constant 0 : i32
      %dma_wait3A_144 = arith.constant 0 : i32
      %dma_wait3A_145 = arith.constant 0 : i32
      %dma_wait3A_146 = tpu.memref_slice %arg7[%dma_wait3A_143, %dma_wait3A_144, %dma_wait3A_145] : memref<4x128x128xf32, #tpu.memory_space<vmem>> -> memref<1x128x128xf32, #tpu.memory_space<vmem>>
      %dma_wait3A_147 = tpu.memref_squeeze %dma_wait3A_146 : memref<1x128x128xf32, #tpu.memory_space<vmem>> -> memref<128x128xf32, #tpu.memory_space<vmem>>
      %dma_wait3A_148 = arith.constant 0 : i32
      %dma_wait3A_149 = tpu.memref_slice %arg6[%dma_wait3A_142, %dma_wait3A_148] : memref<200x128xi32, #tpu.memory_space<vmem>> -> memref<1x128xi32, #tpu.memory_space<vmem>>
      %dma_wait3A_150 = tpu.memref_squeeze %dma_wait3A_149 : memref<1x128xi32, #tpu.memory_space<vmem>> -> memref<128xi32, #tpu.memory_space<vmem>>
      %dma_wait3A_151 = arith.constant 0 : i32
      %dma_wait3A_152 = arith.constant 0 : i32
      %dma_wait3A_153 = tpu.memref_slice %arg3[%dma_wait3A_151, %dma_wait3A_152] : memref<262x128xf32, #tpu.memory_space<hbm>> -> memref<262x128xf32, #tpu.memory_space<hbm>>
      tpu.wait_indirect_dma semaphore(%arg9 : memref<!tpu.dma_semaphore, #tpu.memory_space<semaphore_mem>>) src(%dma_wait3A_153 : memref<262x128xf32, #tpu.memory_space<hbm>>) dst(%dma_wait3A_147 : memref<128x128xf32, #tpu.memory_space<vmem>>)
      %gt3A = arith.constant 0 : i32
      %gt3A_154 = arith.cmpi sgt, %add3A_137, %gt3A : i32
      %convert_element_type3A = arith.extui %gt3A_154 : i1 to i32
      %cond3A = arith.constant 0 : i32
      %cond3A_155 = arith.cmpi ne, %convert_element_type3A, %cond3A : i32
      scf.if %cond3A_155 {
        %dma_wait3A_398 = arith.constant 3 : i32
        %dma_wait3A_399 = arith.constant 0 : i32
        %dma_wait3A_400 = arith.constant 0 : i32
        %dma_wait3A_401 = tpu.memref_slice %arg7[%dma_wait3A_398, %dma_wait3A_399, %dma_wait3A_400] : memref<4x128x128xf32, #tpu.memory_space<vmem>> -> memref<1x128x128xf32, #tpu.memory_space<vmem>>
        %dma_wait3A_402 = tpu.memref_squeeze %dma_wait3A_401 : memref<1x128x128xf32, #tpu.memory_space<vmem>> -> memref<128x128xf32, #tpu.memory_space<vmem>>
        %dma_wait3A_403 = arith.constant 0 : i32
        %dma_wait3A_404 = arith.constant 0 : i32
        %dma_wait3A_405 = tpu.memref_slice %arg4[%dma_wait3A_403, %dma_wait3A_404] : memref<819200x128xf32, #tpu.memory_space<hbm>> -> memref<128x128xf32, #tpu.memory_space<hbm>>
        %dma_wait3A_406 = arith.constant 0 : i32
        %dma_wait3A_407 = arith.constant 0 : i32
        %dma_wait3A_408 = tpu.memref_slice %arg4[%dma_wait3A_406, %dma_wait3A_407] : memref<819200x128xf32, #tpu.memory_space<hbm>> -> memref<128x128xf32, #tpu.memory_space<hbm>>
        %dma_wait3A_409 = arith.constant 0 : i32
        %dma_wait3A_410 = arith.constant 0 : i32
        %dma_wait3A_411 = tpu.memref_slice %arg7[%dma_wait3A_398, %dma_wait3A_409, %dma_wait3A_410] : memref<4x128x128xf32, #tpu.memory_space<vmem>> -> memref<1x128x128xf32, #tpu.memory_space<vmem>>
        %dma_wait3A_412 = tpu.memref_squeeze %dma_wait3A_411 : memref<1x128x128xf32, #tpu.memory_space<vmem>> -> memref<128x128xf32, #tpu.memory_space<vmem>>
        tpu.wait_dma2 semaphore(%arg16 : memref<!tpu.dma_semaphore, #tpu.memory_space<semaphore_mem>>) src(%dma_wait3A_412 : memref<128x128xf32, #tpu.memory_space<vmem>>) dst(%dma_wait3A_408 : memref<128x128xf32, #tpu.memory_space<hbm>>)
        %mul3A_413 = arith.constant 4 : i32
        %mul3A_414 = arith.muli %add3A_137, %mul3A_413 : i32
        %add3A_415 = arith.constant 4 : i32
        %add3A_416 = arith.addi %mul3A_414, %add3A_415 : i32
        %sub3A = arith.constant 1 : i32
        %sub3A_417 = arith.subi %add3A_416, %sub3A : i32
        %dma_start3A_418 = arith.constant 3 : i32
        %dma_start3A_419 = arith.constant 0 : i32
        %dma_start3A_420 = arith.constant 0 : i32
        %dma_start3A_421 = tpu.memref_slice %arg7[%dma_start3A_418, %dma_start3A_419, %dma_start3A_420] : memref<4x128x128xf32, #tpu.memory_space<vmem>> -> memref<1x128x128xf32, #tpu.memory_space<vmem>>
        %dma_start3A_422 = tpu.memref_squeeze %dma_start3A_421 : memref<1x128x128xf32, #tpu.memory_space<vmem>> -> memref<128x128xf32, #tpu.memory_space<vmem>>
        %dma_start3A_423 = arith.constant 0 : i32
        %dma_start3A_424 = tpu.memref_slice %arg6[%sub3A_417, %dma_start3A_423] : memref<200x128xi32, #tpu.memory_space<vmem>> -> memref<1x128xi32, #tpu.memory_space<vmem>>
        %dma_start3A_425 = tpu.memref_squeeze %dma_start3A_424 : memref<1x128xi32, #tpu.memory_space<vmem>> -> memref<128xi32, #tpu.memory_space<vmem>>
        %dma_start3A_426 = arith.constant 0 : i32
        %dma_start3A_427 = arith.constant 0 : i32
        %dma_start3A_428 = tpu.memref_slice %arg3[%dma_start3A_426, %dma_start3A_427] : memref<262x128xf32, #tpu.memory_space<hbm>> -> memref<262x128xf32, #tpu.memory_space<hbm>>
        tpu.enqueue_indirect_dma source(%dma_start3A_428 : memref<262x128xf32, #tpu.memory_space<hbm>>) target(%dma_start3A_422 : memref<128x128xf32, #tpu.memory_space<vmem>>) offsets(%dma_start3A_425 : memref<128xi32, #tpu.memory_space<vmem>>) semaphore(%arg12 : memref<!tpu.dma_semaphore, #tpu.memory_space<semaphore_mem>>)
      } else {
      }
      %eq3A = arith.constant 0 : i32
      %eq3A_156 = arith.cmpi eq, %add3A_137, %eq3A : i32
      %convert_element_type3A_157 = arith.extui %eq3A_156 : i1 to i32
      %cond3A_158 = arith.constant 0 : i32
      %cond3A_159 = arith.cmpi ne, %convert_element_type3A_157, %cond3A_158 : i32
      scf.if %cond3A_159 {
        %dma_start3A_398 = arith.constant 3 : i32
        %dma_start3A_399 = arith.constant 3 : i32
        %dma_start3A_400 = arith.constant 0 : i32
        %dma_start3A_401 = arith.constant 0 : i32
        %dma_start3A_402 = tpu.memref_slice %arg7[%dma_start3A_399, %dma_start3A_400, %dma_start3A_401] : memref<4x128x128xf32, #tpu.memory_space<vmem>> -> memref<1x128x128xf32, #tpu.memory_space<vmem>>
        %dma_start3A_403 = tpu.memref_squeeze %dma_start3A_402 : memref<1x128x128xf32, #tpu.memory_space<vmem>> -> memref<128x128xf32, #tpu.memory_space<vmem>>
        %dma_start3A_404 = arith.constant 0 : i32
        %dma_start3A_405 = tpu.memref_slice %arg6[%dma_start3A_398, %dma_start3A_404] : memref<200x128xi32, #tpu.memory_space<vmem>> -> memref<1x128xi32, #tpu.memory_space<vmem>>
        %dma_start3A_406 = tpu.memref_squeeze %dma_start3A_405 : memref<1x128xi32, #tpu.memory_space<vmem>> -> memref<128xi32, #tpu.memory_space<vmem>>
        %dma_start3A_407 = arith.constant 0 : i32
        %dma_start3A_408 = arith.constant 0 : i32
        %dma_start3A_409 = tpu.memref_slice %arg3[%dma_start3A_407, %dma_start3A_408] : memref<262x128xf32, #tpu.memory_space<hbm>> -> memref<262x128xf32, #tpu.memory_space<hbm>>
        tpu.enqueue_indirect_dma source(%dma_start3A_409 : memref<262x128xf32, #tpu.memory_space<hbm>>) target(%dma_start3A_403 : memref<128x128xf32, #tpu.memory_space<vmem>>) offsets(%dma_start3A_406 : memref<128xi32, #tpu.memory_space<vmem>>) semaphore(%arg12 : memref<!tpu.dma_semaphore, #tpu.memory_space<semaphore_mem>>)
      } else {
      }
      %gt3A_160 = arith.constant 0 : i32
      %gt3A_161 = arith.cmpi sgt, %add3A_137, %gt3A_160 : i32
      %convert_element_type3A_162 = arith.extui %gt3A_161 : i1 to i32
      %cond3A_163 = arith.constant 0 : i32
      %cond3A_164 = arith.cmpi ne, %convert_element_type3A_162, %cond3A_163 : i32
      scf.if %cond3A_164 {
        %dma_wait3A_398 = arith.constant 0 : i32
        %dma_wait3A_399 = arith.constant 0 : i32
        %dma_wait3A_400 = arith.constant 0 : i32
        %dma_wait3A_401 = tpu.memref_slice %arg8[%dma_wait3A_398, %dma_wait3A_399, %dma_wait3A_400] : memref<2x128x64xf32, #tpu.memory_space<vmem>> -> memref<1x128x64xf32, #tpu.memory_space<vmem>>
        %dma_wait3A_402 = tpu.memref_squeeze %dma_wait3A_401 : memref<1x128x64xf32, #tpu.memory_space<vmem>> -> memref<128x64xf32, #tpu.memory_space<vmem>>
        %dma_wait3A_403 = arith.constant 0 : i32
        %dma_wait3A_404 = arith.constant 0 : i32
        %dma_wait3A_405 = tpu.memref_slice %arg5[%dma_wait3A_403, %dma_wait3A_404] : memref<819200x64xf32, #tpu.memory_space<hbm>> -> memref<128x64xf32, #tpu.memory_space<hbm>>
        %dma_wait3A_406 = arith.constant 0 : i32
        %dma_wait3A_407 = arith.constant 0 : i32
        %dma_wait3A_408 = tpu.memref_slice %arg5[%dma_wait3A_406, %dma_wait3A_407] : memref<819200x64xf32, #tpu.memory_space<hbm>> -> memref<128x64xf32, #tpu.memory_space<hbm>>
        %dma_wait3A_409 = arith.constant 0 : i32
        %dma_wait3A_410 = arith.constant 0 : i32
        %dma_wait3A_411 = tpu.memref_slice %arg8[%dma_wait3A_398, %dma_wait3A_409, %dma_wait3A_410] : memref<2x128x64xf32, #tpu.memory_space<vmem>> -> memref<1x128x64xf32, #tpu.memory_space<vmem>>
        %dma_wait3A_412 = tpu.memref_squeeze %dma_wait3A_411 : memref<1x128x64xf32, #tpu.memory_space<vmem>> -> memref<128x64xf32, #tpu.memory_space<vmem>>
        tpu.wait_dma2 semaphore(%arg17 : memref<!tpu.dma_semaphore, #tpu.memory_space<semaphore_mem>>) src(%dma_wait3A_412 : memref<128x64xf32, #tpu.memory_space<vmem>>) dst(%dma_wait3A_408 : memref<128x64xf32, #tpu.memory_space<hbm>>)
      } else {
      }
      %scan3A_165 = arith.constant 0 : i32
      %scan3A_166 = arith.constant 128 : i32
      %scan3A_167 = arith.addi %scan3A_165, %scan3A_166 : i32
      %scan3A_168 = arith.constant 1 : i32
      scf.for %scan3A_398 = %scan3A_165 to %scan3A_167 step %scan3A_168  : i32 {
        %mul3A_399 = arith.constant 1 : i32
        %mul3A_400 = arith.muli %scan3A_398, %mul3A_399 : i32
        %add3A_401 = arith.constant 0 : i32
        %add3A_402 = arith.addi %add3A_401, %mul3A_400 : i32
        %broadcast_in_dim3A = vector.broadcast %add3A_402 : i32 to vector<16xi32>
        %mul3A_403 = arith.constant 2 : i32
        %mul3A_404 = vector.broadcast %mul3A_403 : i32 to vector<16xi32>
        %mul3A_405 = arith.muli %mul3A_404, %iota3A : vector<16xi32>
        %add3A_406 = arith.constant 0 : i32
        %add3A_407 = vector.broadcast %add3A_406 : i32 to vector<16xi32>
        %add3A_408 = arith.addi %add3A_407, %mul3A_405 : vector<16xi32>
        %gather3A = arith.constant 0 : i32
        %gather3A_409 = arith.constant 0 : i32
        %gather3A_410 = arith.constant 0 : i32
        %gather3A_411 = tpu.memref_slice %arg7[%gather3A, %gather3A_409, %gather3A_410] : memref<4x128x128xf32, #tpu.memory_space<vmem>> -> memref<1x128x128xf32, #tpu.memory_space<vmem>>
        %gather3A_412 = tpu.memref_squeeze %gather3A_411 : memref<1x128x128xf32, #tpu.memory_space<vmem>> -> memref<128x128xf32, #tpu.memory_space<vmem>>
        %gather3A_413 = tpu.vector_load_idx %gather3A_412[%broadcast_in_dim3A, %add3A_408] : memref<128x128xf32, #tpu.memory_space<vmem>>[vector<16xi32>, vector<16xi32>], vector<16xf32>,
        %add3A_414 = arith.constant 1 : i32
        %add3A_415 = vector.broadcast %add3A_414 : i32 to vector<16xi32>
        %add3A_416 = arith.addi %add3A_408, %add3A_415 : vector<16xi32>
        %gather3A_417 = arith.constant 0 : i32
        %gather3A_418 = arith.constant 0 : i32
        %gather3A_419 = arith.constant 0 : i32
        %gather3A_420 = tpu.memref_slice %arg7[%gather3A_417, %gather3A_418, %gather3A_419] : memref<4x128x128xf32, #tpu.memory_space<vmem>> -> memref<1x128x128xf32, #tpu.memory_space<vmem>>
        %gather3A_421 = tpu.memref_squeeze %gather3A_420 : memref<1x128x128xf32, #tpu.memory_space<vmem>> -> memref<128x128xf32, #tpu.memory_space<vmem>>
        %gather3A_422 = tpu.vector_load_idx %gather3A_421[%broadcast_in_dim3A, %add3A_416] : memref<128x128xf32, #tpu.memory_space<vmem>>[vector<16xi32>, vector<16xi32>], vector<16xf32>,
        %max3A = arith.maximumf %gather3A_413, %gather3A_422 : vector<16xf32>
        %swap3A = arith.constant 0 : i32
        %swap3A_423 = arith.index_cast %swap3A : i32 to index
        %swap3A_424 = arith.index_cast %add3A_402 : i32 to index
        %swap3A_425 = arith.constant 0 : index
        %swap3A_426 = tpu.vector_load %arg8[%swap3A_423, %swap3A_424, %swap3A_425] {strides = array<i32>} : memref<2x128x64xf32, #tpu.memory_space<vmem>>, vector<16xf32>,
        tpu.vector_store %arg8[%swap3A_423, %swap3A_424, %swap3A_425], %max3A {strides = array<i32>} : memref<2x128x64xf32, #tpu.memory_space<vmem>>, vector<16xf32>,
        %mul3A_427 = arith.constant 2 : i32
        %mul3A_428 = vector.broadcast %mul3A_427 : i32 to vector<16xi32>
        %mul3A_429 = arith.muli %mul3A_428, %iota3A : vector<16xi32>
        %add3A_430 = arith.constant 32 : i32
        %add3A_431 = vector.broadcast %add3A_430 : i32 to vector<16xi32>
        %add3A_432 = arith.addi %add3A_431, %mul3A_429 : vector<16xi32>
        %gather3A_433 = arith.constant 0 : i32
        %gather3A_434 = arith.constant 0 : i32
        %gather3A_435 = arith.constant 0 : i32
        %gather3A_436 = tpu.memref_slice %arg7[%gather3A_433, %gather3A_434, %gather3A_435] : memref<4x128x128xf32, #tpu.memory_space<vmem>> -> memref<1x128x128xf32, #tpu.memory_space<vmem>>
        %gather3A_437 = tpu.memref_squeeze %gather3A_436 : memref<1x128x128xf32, #tpu.memory_space<vmem>> -> memref<128x128xf32, #tpu.memory_space<vmem>>
        %gather3A_438 = tpu.vector_load_idx %gather3A_437[%broadcast_in_dim3A, %add3A_432] : memref<128x128xf32, #tpu.memory_space<vmem>>[vector<16xi32>, vector<16xi32>], vector<16xf32>,
        %add3A_439 = arith.constant 1 : i32
        %add3A_440 = vector.broadcast %add3A_439 : i32 to vector<16xi32>
        %add3A_441 = arith.addi %add3A_432, %add3A_440 : vector<16xi32>
        %gather3A_442 = arith.constant 0 : i32
        %gather3A_443 = arith.constant 0 : i32
        %gather3A_444 = arith.constant 0 : i32
        %gather3A_445 = tpu.memref_slice %arg7[%gather3A_442, %gather3A_443, %gather3A_444] : memref<4x128x128xf32, #tpu.memory_space<vmem>> -> memref<1x128x128xf32, #tpu.memory_space<vmem>>
        %gather3A_446 = tpu.memref_squeeze %gather3A_445 : memref<1x128x128xf32, #tpu.memory_space<vmem>> -> memref<128x128xf32, #tpu.memory_space<vmem>>
        %gather3A_447 = tpu.vector_load_idx %gather3A_446[%broadcast_in_dim3A, %add3A_441] : memref<128x128xf32, #tpu.memory_space<vmem>>[vector<16xi32>, vector<16xi32>], vector<16xf32>,
        %max3A_448 = arith.maximumf %gather3A_438, %gather3A_447 : vector<16xf32>
        %swap3A_449 = arith.constant 0 : i32
        %swap3A_450 = arith.index_cast %swap3A_449 : i32 to index
        %swap3A_451 = arith.index_cast %add3A_402 : i32 to index
        %swap3A_452 = arith.constant 16 : index
        %swap3A_453 = tpu.vector_load %arg8[%swap3A_450, %swap3A_451, %swap3A_452] {strides = array<i32>} : memref<2x128x64xf32, #tpu.memory_space<vmem>>, vector<16xf32>,
        tpu.vector_store %arg8[%swap3A_450, %swap3A_451, %swap3A_452], %max3A_448 {strides = array<i32>} : memref<2x128x64xf32, #tpu.memory_space<vmem>>, vector<16xf32>,
        %mul3A_454 = arith.constant 2 : i32
        %mul3A_455 = vector.broadcast %mul3A_454 : i32 to vector<16xi32>
        %mul3A_456 = arith.muli %mul3A_455, %iota3A : vector<16xi32>
        %add3A_457 = arith.constant 64 : i32
        %add3A_458 = vector.broadcast %add3A_457 : i32 to vector<16xi32>
        %add3A_459 = arith.addi %add3A_458, %mul3A_456 : vector<16xi32>
        %gather3A_460 = arith.constant 0 : i32
        %gather3A_461 = arith.constant 0 : i32
        %gather3A_462 = arith.constant 0 : i32
        %gather3A_463 = tpu.memref_slice %arg7[%gather3A_460, %gather3A_461, %gather3A_462] : memref<4x128x128xf32, #tpu.memory_space<vmem>> -> memref<1x128x128xf32, #tpu.memory_space<vmem>>
        %gather3A_464 = tpu.memref_squeeze %gather3A_463 : memref<1x128x128xf32, #tpu.memory_space<vmem>> -> memref<128x128xf32, #tpu.memory_space<vmem>>
        %gather3A_465 = tpu.vector_load_idx %gather3A_464[%broadcast_in_dim3A, %add3A_459] : memref<128x128xf32, #tpu.memory_space<vmem>>[vector<16xi32>, vector<16xi32>], vector<16xf32>,
        %add3A_466 = arith.constant 1 : i32
        %add3A_467 = vector.broadcast %add3A_466 : i32 to vector<16xi32>
        %add3A_468 = arith.addi %add3A_459, %add3A_467 : vector<16xi32>
        %gather3A_469 = arith.constant 0 : i32
        %gather3A_470 = arith.constant 0 : i32
        %gather3A_471 = arith.constant 0 : i32
        %gather3A_472 = tpu.memref_slice %arg7[%gather3A_469, %gather3A_470, %gather3A_471] : memref<4x128x128xf32, #tpu.memory_space<vmem>> -> memref<1x128x128xf32, #tpu.memory_space<vmem>>
        %gather3A_473 = tpu.memref_squeeze %gather3A_472 : memref<1x128x128xf32, #tpu.memory_space<vmem>> -> memref<128x128xf32, #tpu.memory_space<vmem>>
        %gather3A_474 = tpu.vector_load_idx %gather3A_473[%broadcast_in_dim3A, %add3A_468] : memref<128x128xf32, #tpu.memory_space<vmem>>[vector<16xi32>, vector<16xi32>], vector<16xf32>,
        %max3A_475 = arith.maximumf %gather3A_465, %gather3A_474 : vector<16xf32>
        %swap3A_476 = arith.constant 0 : i32
        %swap3A_477 = arith.index_cast %swap3A_476 : i32 to index
        %swap3A_478 = arith.index_cast %add3A_402 : i32 to index
        %swap3A_479 = arith.constant 32 : index
        %swap3A_480 = tpu.vector_load %arg8[%swap3A_477, %swap3A_478, %swap3A_479] {strides = array<i32>} : memref<2x128x64xf32, #tpu.memory_space<vmem>>, vector<16xf32>,
        tpu.vector_store %arg8[%swap3A_477, %swap3A_478, %swap3A_479], %max3A_475 {strides = array<i32>} : memref<2x128x64xf32, #tpu.memory_space<vmem>>, vector<16xf32>,
        %mul3A_481 = arith.constant 2 : i32
        %mul3A_482 = vector.broadcast %mul3A_481 : i32 to vector<16xi32>
        %mul3A_483 = arith.muli %mul3A_482, %iota3A : vector<16xi32>
        %add3A_484 = arith.constant 96 : i32
        %add3A_485 = vector.broadcast %add3A_484 : i32 to vector<16xi32>
        %add3A_486 = arith.addi %add3A_485, %mul3A_483 : vector<16xi32>
        %gather3A_487 = arith.constant 0 : i32
        %gather3A_488 = arith.constant 0 : i32
        %gather3A_489 = arith.constant 0 : i32
        %gather3A_490 = tpu.memref_slice %arg7[%gather3A_487, %gather3A_488, %gather3A_489] : memref<4x128x128xf32, #tpu.memory_space<vmem>> -> memref<1x128x128xf32, #tpu.memory_space<vmem>>
        %gather3A_491 = tpu.memref_squeeze %gather3A_490 : memref<1x128x128xf32, #tpu.memory_space<vmem>> -> memref<128x128xf32, #tpu.memory_space<vmem>>
        %gather3A_492 = tpu.vector_load_idx %gather3A_491[%broadcast_in_dim3A, %add3A_486] : memref<128x128xf32, #tpu.memory_space<vmem>>[vector<16xi32>, vector<16xi32>], vector<16xf32>,
        %add3A_493 = arith.constant 1 : i32
        %add3A_494 = vector.broadcast %add3A_493 : i32 to vector<16xi32>
        %add3A_495 = arith.addi %add3A_486, %add3A_494 : vector<16xi32>
        %gather3A_496 = arith.constant 0 : i32
        %gather3A_497 = arith.constant 0 : i32
        %gather3A_498 = arith.constant 0 : i32
        %gather3A_499 = tpu.memref_slice %arg7[%gather3A_496, %gather3A_497, %gather3A_498] : memref<4x128x128xf32, #tpu.memory_space<vmem>> -> memref<1x128x128xf32, #tpu.memory_space<vmem>>
        %gather3A_500 = tpu.memref_squeeze %gather3A_499 : memref<1x128x128xf32, #tpu.memory_space<vmem>> -> memref<128x128xf32, #tpu.memory_space<vmem>>
        %gather3A_501 = tpu.vector_load_idx %gather3A_500[%broadcast_in_dim3A, %add3A_495] : memref<128x128xf32, #tpu.memory_space<vmem>>[vector<16xi32>, vector<16xi32>], vector<16xf32>,
        %max3A_502 = arith.maximumf %gather3A_492, %gather3A_501 : vector<16xf32>
        %swap3A_503 = arith.constant 0 : i32
        %swap3A_504 = arith.index_cast %swap3A_503 : i32 to index
        %swap3A_505 = arith.index_cast %add3A_402 : i32 to index
        %swap3A_506 = arith.constant 48 : index
        %swap3A_507 = tpu.vector_load %arg8[%swap3A_504, %swap3A_505, %swap3A_506] {strides = array<i32>} : memref<2x128x64xf32, #tpu.memory_space<vmem>>, vector<16xf32>,
        tpu.vector_store %arg8[%swap3A_504, %swap3A_505, %swap3A_506], %max3A_502 {strides = array<i32>} : memref<2x128x64xf32, #tpu.memory_space<vmem>>, vector<16xf32>,
      }
      %scan3A_169 = arith.constant 128 : i32
      %mul3A_170 = arith.constant 128 : i32
      %mul3A_171 = arith.muli %add3A_141, %mul3A_170 : i32
      %add3A_172 = arith.addi %mul3A_2, %mul3A_171 : i32
      %dma_start3A_173 = arith.constant 0 : i32
      %dma_start3A_174 = arith.constant 0 : i32
      %dma_start3A_175 = arith.constant 0 : i32
      %dma_start3A_176 = tpu.memref_slice %arg7[%dma_start3A_173, %dma_start3A_174, %dma_start3A_175] : memref<4x128x128xf32, #tpu.memory_space<vmem>> -> memref<1x128x128xf32, #tpu.memory_space<vmem>>
      %dma_start3A_177 = tpu.memref_squeeze %dma_start3A_176 : memref<1x128x128xf32, #tpu.memory_space<vmem>> -> memref<128x128xf32, #tpu.memory_space<vmem>>
      %dma_start3A_178 = arith.constant 0 : i32
      %dma_start3A_179 = tpu.memref_slice %arg4[%add3A_172, %dma_start3A_178] : memref<819200x128xf32, #tpu.memory_space<hbm>> -> memref<128x128xf32, #tpu.memory_space<hbm>>
      %dma_start3A_180 = arith.constant 0 : i32
      %dma_start3A_181 = tpu.memref_slice %arg4[%add3A_172, %dma_start3A_180] : memref<819200x128xf32, #tpu.memory_space<hbm>> -> memref<128x128xf32, #tpu.memory_space<hbm>>
      %dma_start3A_182 = arith.constant 0 : i32
      %dma_start3A_183 = arith.constant 0 : i32
      %dma_start3A_184 = tpu.memref_slice %arg7[%dma_start3A_173, %dma_start3A_182, %dma_start3A_183] : memref<4x128x128xf32, #tpu.memory_space<vmem>> -> memref<1x128x128xf32, #tpu.memory_space<vmem>>
      %dma_start3A_185 = tpu.memref_squeeze %dma_start3A_184 : memref<1x128x128xf32, #tpu.memory_space<vmem>> -> memref<128x128xf32, #tpu.memory_space<vmem>>
      tpu.enqueue_dma source(%dma_start3A_185 : memref<128x128xf32, #tpu.memory_space<vmem>>) target(%dma_start3A_181 : memref<128x128xf32, #tpu.memory_space<hbm>>) target_semaphore(%arg13 : memref<!tpu.dma_semaphore, #tpu.memory_space<semaphore_mem>>)
      %dma_start3A_186 = arith.constant 0 : i32
      %dma_start3A_187 = arith.constant 0 : i32
      %dma_start3A_188 = arith.constant 0 : i32
      %dma_start3A_189 = tpu.memref_slice %arg8[%dma_start3A_186, %dma_start3A_187, %dma_start3A_188] : memref<2x128x64xf32, #tpu.memory_space<vmem>> -> memref<1x128x64xf32, #tpu.memory_space<vmem>>
      %dma_start3A_190 = tpu.memref_squeeze %dma_start3A_189 : memref<1x128x64xf32, #tpu.memory_space<vmem>> -> memref<128x64xf32, #tpu.memory_space<vmem>>
      %dma_start3A_191 = arith.constant 0 : i32
      %dma_start3A_192 = tpu.memref_slice %arg5[%add3A_172, %dma_start3A_191] : memref<819200x64xf32, #tpu.memory_space<hbm>> -> memref<128x64xf32, #tpu.memory_space<hbm>>
      %dma_start3A_193 = arith.constant 0 : i32
      %dma_start3A_194 = tpu.memref_slice %arg5[%add3A_172, %dma_start3A_193] : memref<819200x64xf32, #tpu.memory_space<hbm>> -> memref<128x64xf32, #tpu.memory_space<hbm>>
      %dma_start3A_195 = arith.constant 0 : i32
      %dma_start3A_196 = arith.constant 0 : i32
      %dma_start3A_197 = tpu.memref_slice %arg8[%dma_start3A_186, %dma_start3A_195, %dma_start3A_196] : memref<2x128x64xf32, #tpu.memory_space<vmem>> -> memref<1x128x64xf32, #tpu.memory_space<vmem>>
      %dma_start3A_198 = tpu.memref_squeeze %dma_start3A_197 : memref<1x128x64xf32, #tpu.memory_space<vmem>> -> memref<128x64xf32, #tpu.memory_space<vmem>>
      tpu.enqueue_dma source(%dma_start3A_198 : memref<128x64xf32, #tpu.memory_space<vmem>>) target(%dma_start3A_194 : memref<128x64xf32, #tpu.memory_space<hbm>>) target_semaphore(%arg17 : memref<!tpu.dma_semaphore, #tpu.memory_space<semaphore_mem>>)
      %mul3A_199 = arith.constant 4 : i32
      %mul3A_200 = arith.muli %add3A_137, %mul3A_199 : i32
      %add3A_201 = arith.constant 1 : i32
      %add3A_202 = arith.addi %mul3A_200, %add3A_201 : i32
      %dma_wait3A_203 = arith.constant 0 : i32
      %dma_wait3A_204 = arith.constant 1 : i32
      %dma_wait3A_205 = arith.constant 0 : i32
      %dma_wait3A_206 = arith.constant 0 : i32
      %dma_wait3A_207 = tpu.memref_slice %arg7[%dma_wait3A_204, %dma_wait3A_205, %dma_wait3A_206] : memref<4x128x128xf32, #tpu.memory_space<vmem>> -> memref<1x128x128xf32, #tpu.memory_space<vmem>>
      %dma_wait3A_208 = tpu.memref_squeeze %dma_wait3A_207 : memref<1x128x128xf32, #tpu.memory_space<vmem>> -> memref<128x128xf32, #tpu.memory_space<vmem>>
      %dma_wait3A_209 = arith.constant 0 : i32
      %dma_wait3A_210 = tpu.memref_slice %arg6[%dma_wait3A_203, %dma_wait3A_209] : memref<200x128xi32, #tpu.memory_space<vmem>> -> memref<1x128xi32, #tpu.memory_space<vmem>>
      %dma_wait3A_211 = tpu.memref_squeeze %dma_wait3A_210 : memref<1x128xi32, #tpu.memory_space<vmem>> -> memref<128xi32, #tpu.memory_space<vmem>>
      %dma_wait3A_212 = arith.constant 0 : i32
      %dma_wait3A_213 = arith.constant 0 : i32
      %dma_wait3A_214 = tpu.memref_slice %arg3[%dma_wait3A_212, %dma_wait3A_213] : memref<262x128xf32, #tpu.memory_space<hbm>> -> memref<262x128xf32, #tpu.memory_space<hbm>>
      tpu.wait_indirect_dma semaphore(%arg10 : memref<!tpu.dma_semaphore, #tpu.memory_space<semaphore_mem>>) src(%dma_wait3A_214 : memref<262x128xf32, #tpu.memory_space<hbm>>) dst(%dma_wait3A_208 : memref<128x128xf32, #tpu.memory_space<vmem>>)
      %lt3A = arith.constant 49 : i32
      %lt3A_215 = arith.cmpi slt, %add3A_137, %lt3A : i32
      %convert_element_type3A_216 = arith.extui %lt3A_215 : i1 to i32
      %cond3A_217 = arith.constant 0 : i32
      %cond3A_218 = arith.cmpi ne, %convert_element_type3A_216, %cond3A_217 : i32
      scf.if %cond3A_218 {
        %dma_wait3A_398 = arith.constant 0 : i32
        %dma_wait3A_399 = arith.constant 0 : i32
        %dma_wait3A_400 = arith.constant 0 : i32
        %dma_wait3A_401 = tpu.memref_slice %arg7[%dma_wait3A_398, %dma_wait3A_399, %dma_wait3A_400] : memref<4x128x128xf32, #tpu.memory_space<vmem>> -> memref<1x128x128xf32, #tpu.memory_space<vmem>>
        %dma_wait3A_402 = tpu.memref_squeeze %dma_wait3A_401 : memref<1x128x128xf32, #tpu.memory_space<vmem>> -> memref<128x128xf32, #tpu.memory_space<vmem>>
        %dma_wait3A_403 = arith.constant 0 : i32
        %dma_wait3A_404 = arith.constant 0 : i32
        %dma_wait3A_405 = tpu.memref_slice %arg4[%dma_wait3A_403, %dma_wait3A_404] : memref<819200x128xf32, #tpu.memory_space<hbm>> -> memref<128x128xf32, #tpu.memory_space<hbm>>
        %dma_wait3A_406 = arith.constant 0 : i32
        %dma_wait3A_407 = arith.constant 0 : i32
        %dma_wait3A_408 = tpu.memref_slice %arg4[%dma_wait3A_406, %dma_wait3A_407] : memref<819200x128xf32, #tpu.memory_space<hbm>> -> memref<128x128xf32, #tpu.memory_space<hbm>>
        %dma_wait3A_409 = arith.constant 0 : i32
        %dma_wait3A_410 = arith.constant 0 : i32
        %dma_wait3A_411 = tpu.memref_slice %arg7[%dma_wait3A_398, %dma_wait3A_409, %dma_wait3A_410] : memref<4x128x128xf32, #tpu.memory_space<vmem>> -> memref<1x128x128xf32, #tpu.memory_space<vmem>>
        %dma_wait3A_412 = tpu.memref_squeeze %dma_wait3A_411 : memref<1x128x128xf32, #tpu.memory_space<vmem>> -> memref<128x128xf32, #tpu.memory_space<vmem>>
        tpu.wait_dma2 semaphore(%arg13 : memref<!tpu.dma_semaphore, #tpu.memory_space<semaphore_mem>>) src(%dma_wait3A_412 : memref<128x128xf32, #tpu.memory_space<vmem>>) dst(%dma_wait3A_408 : memref<128x128xf32, #tpu.memory_space<hbm>>)
        %add3A_413 = arith.constant 1 : i32
        %add3A_414 = arith.addi %add3A_137, %add3A_413 : i32
        %mul3A_415 = arith.constant 4 : i32
        %mul3A_416 = arith.muli %add3A_414, %mul3A_415 : i32
        %add3A_417 = arith.constant 1 : i32
        %add3A_418 = arith.addi %mul3A_416, %add3A_417 : i32
        %sub3A = arith.constant 1 : i32
        %sub3A_419 = arith.subi %add3A_418, %sub3A : i32
        %dma_start3A_420 = arith.constant 0 : i32
        %dma_start3A_421 = arith.constant 0 : i32
        %dma_start3A_422 = arith.constant 0 : i32
        %dma_start3A_423 = tpu.memref_slice %arg7[%dma_start3A_420, %dma_start3A_421, %dma_start3A_422] : memref<4x128x128xf32, #tpu.memory_space<vmem>> -> memref<1x128x128xf32, #tpu.memory_space<vmem>>
        %dma_start3A_424 = tpu.memref_squeeze %dma_start3A_423 : memref<1x128x128xf32, #tpu.memory_space<vmem>> -> memref<128x128xf32, #tpu.memory_space<vmem>>
        %dma_start3A_425 = arith.constant 0 : i32
        %dma_start3A_426 = tpu.memref_slice %arg6[%sub3A_419, %dma_start3A_425] : memref<200x128xi32, #tpu.memory_space<vmem>> -> memref<1x128xi32, #tpu.memory_space<vmem>>
        %dma_start3A_427 = tpu.memref_squeeze %dma_start3A_426 : memref<1x128xi32, #tpu.memory_space<vmem>> -> memref<128xi32, #tpu.memory_space<vmem>>
        %dma_start3A_428 = arith.constant 0 : i32
        %dma_start3A_429 = arith.constant 0 : i32
        %dma_start3A_430 = tpu.memref_slice %arg3[%dma_start3A_428, %dma_start3A_429] : memref<262x128xf32, #tpu.memory_space<hbm>> -> memref<262x128xf32, #tpu.memory_space<hbm>>
        tpu.enqueue_indirect_dma source(%dma_start3A_430 : memref<262x128xf32, #tpu.memory_space<hbm>>) target(%dma_start3A_424 : memref<128x128xf32, #tpu.memory_space<vmem>>) offsets(%dma_start3A_427 : memref<128xi32, #tpu.memory_space<vmem>>) semaphore(%arg9 : memref<!tpu.dma_semaphore, #tpu.memory_space<semaphore_mem>>)
      } else {
      }
      %gt3A_219 = arith.constant 0 : i32
      %gt3A_220 = arith.cmpi sgt, %add3A_137, %gt3A_219 : i32
      %convert_element_type3A_221 = arith.extui %gt3A_220 : i1 to i32
      %cond3A_222 = arith.constant 0 : i32
      %cond3A_223 = arith.cmpi ne, %convert_element_type3A_221, %cond3A_222 : i32
      scf.if %cond3A_223 {
        %dma_wait3A_398 = arith.constant 1 : i32
        %dma_wait3A_399 = arith.constant 0 : i32
        %dma_wait3A_400 = arith.constant 0 : i32
        %dma_wait3A_401 = tpu.memref_slice %arg8[%dma_wait3A_398, %dma_wait3A_399, %dma_wait3A_400] : memref<2x128x64xf32, #tpu.memory_space<vmem>> -> memref<1x128x64xf32, #tpu.memory_space<vmem>>
        %dma_wait3A_402 = tpu.memref_squeeze %dma_wait3A_401 : memref<1x128x64xf32, #tpu.memory_space<vmem>> -> memref<128x64xf32, #tpu.memory_space<vmem>>
        %dma_wait3A_403 = arith.constant 0 : i32
        %dma_wait3A_404 = arith.constant 0 : i32
        %dma_wait3A_405 = tpu.memref_slice %arg5[%dma_wait3A_403, %dma_wait3A_404] : memref<819200x64xf32, #tpu.memory_space<hbm>> -> memref<128x64xf32, #tpu.memory_space<hbm>>
        %dma_wait3A_406 = arith.constant 0 : i32
        %dma_wait3A_407 = arith.constant 0 : i32
        %dma_wait3A_408 = tpu.memref_slice %arg5[%dma_wait3A_406, %dma_wait3A_407] : memref<819200x64xf32, #tpu.memory_space<hbm>> -> memref<128x64xf32, #tpu.memory_space<hbm>>
        %dma_wait3A_409 = arith.constant 0 : i32
        %dma_wait3A_410 = arith.constant 0 : i32
        %dma_wait3A_411 = tpu.memref_slice %arg8[%dma_wait3A_398, %dma_wait3A_409, %dma_wait3A_410] : memref<2x128x64xf32, #tpu.memory_space<vmem>> -> memref<1x128x64xf32, #tpu.memory_space<vmem>>
        %dma_wait3A_412 = tpu.memref_squeeze %dma_wait3A_411 : memref<1x128x64xf32, #tpu.memory_space<vmem>> -> memref<128x64xf32, #tpu.memory_space<vmem>>
        tpu.wait_dma2 semaphore(%arg18 : memref<!tpu.dma_semaphore, #tpu.memory_space<semaphore_mem>>) src(%dma_wait3A_412 : memref<128x64xf32, #tpu.memory_space<vmem>>) dst(%dma_wait3A_408 : memref<128x64xf32, #tpu.memory_space<hbm>>)
      } else {
      }
      %scan3A_224 = arith.constant 0 : i32
      %scan3A_225 = arith.constant 128 : i32
      %scan3A_226 = arith.addi %scan3A_224, %scan3A_225 : i32
      %scan3A_227 = arith.constant 1 : i32
      scf.for %scan3A_398 = %scan3A_224 to %scan3A_226 step %scan3A_227  : i32 {
        %mul3A_399 = arith.constant 1 : i32
        %mul3A_400 = arith.muli %scan3A_398, %mul3A_399 : i32
        %add3A_401 = arith.constant 0 : i32
        %add3A_402 = arith.addi %add3A_401, %mul3A_400 : i32
        %broadcast_in_dim3A = vector.broadcast %add3A_402 : i32 to vector<16xi32>
        %mul3A_403 = arith.constant 2 : i32
        %mul3A_404 = vector.broadcast %mul3A_403 : i32 to vector<16xi32>
        %mul3A_405 = arith.muli %mul3A_404, %iota3A : vector<16xi32>
        %add3A_406 = arith.constant 0 : i32
        %add3A_407 = vector.broadcast %add3A_406 : i32 to vector<16xi32>
        %add3A_408 = arith.addi %add3A_407, %mul3A_405 : vector<16xi32>
        %gather3A = arith.constant 1 : i32
        %gather3A_409 = arith.constant 0 : i32
        %gather3A_410 = arith.constant 0 : i32
        %gather3A_411 = tpu.memref_slice %arg7[%gather3A, %gather3A_409, %gather3A_410] : memref<4x128x128xf32, #tpu.memory_space<vmem>> -> memref<1x128x128xf32, #tpu.memory_space<vmem>>
        %gather3A_412 = tpu.memref_squeeze %gather3A_411 : memref<1x128x128xf32, #tpu.memory_space<vmem>> -> memref<128x128xf32, #tpu.memory_space<vmem>>
        %gather3A_413 = tpu.vector_load_idx %gather3A_412[%broadcast_in_dim3A, %add3A_408] : memref<128x128xf32, #tpu.memory_space<vmem>>[vector<16xi32>, vector<16xi32>], vector<16xf32>,
        %add3A_414 = arith.constant 1 : i32
        %add3A_415 = vector.broadcast %add3A_414 : i32 to vector<16xi32>
        %add3A_416 = arith.addi %add3A_408, %add3A_415 : vector<16xi32>
        %gather3A_417 = arith.constant 1 : i32
        %gather3A_418 = arith.constant 0 : i32
        %gather3A_419 = arith.constant 0 : i32
        %gather3A_420 = tpu.memref_slice %arg7[%gather3A_417, %gather3A_418, %gather3A_419] : memref<4x128x128xf32, #tpu.memory_space<vmem>> -> memref<1x128x128xf32, #tpu.memory_space<vmem>>
        %gather3A_421 = tpu.memref_squeeze %gather3A_420 : memref<1x128x128xf32, #tpu.memory_space<vmem>> -> memref<128x128xf32, #tpu.memory_space<vmem>>
        %gather3A_422 = tpu.vector_load_idx %gather3A_421[%broadcast_in_dim3A, %add3A_416] : memref<128x128xf32, #tpu.memory_space<vmem>>[vector<16xi32>, vector<16xi32>], vector<16xf32>,
        %max3A = arith.maximumf %gather3A_413, %gather3A_422 : vector<16xf32>
        %swap3A = arith.constant 1 : i32
        %swap3A_423 = arith.index_cast %swap3A : i32 to index
        %swap3A_424 = arith.index_cast %add3A_402 : i32 to index
        %swap3A_425 = arith.constant 0 : index
        %swap3A_426 = tpu.vector_load %arg8[%swap3A_423, %swap3A_424, %swap3A_425] {strides = array<i32>} : memref<2x128x64xf32, #tpu.memory_space<vmem>>, vector<16xf32>,
        tpu.vector_store %arg8[%swap3A_423, %swap3A_424, %swap3A_425], %max3A {strides = array<i32>} : memref<2x128x64xf32, #tpu.memory_space<vmem>>, vector<16xf32>,
        %mul3A_427 = arith.constant 2 : i32
        %mul3A_428 = vector.broadcast %mul3A_427 : i32 to vector<16xi32>
        %mul3A_429 = arith.muli %mul3A_428, %iota3A : vector<16xi32>
        %add3A_430 = arith.constant 32 : i32
        %add3A_431 = vector.broadcast %add3A_430 : i32 to vector<16xi32>
        %add3A_432 = arith.addi %add3A_431, %mul3A_429 : vector<16xi32>
        %gather3A_433 = arith.constant 1 : i32
        %gather3A_434 = arith.constant 0 : i32
        %gather3A_435 = arith.constant 0 : i32
        %gather3A_436 = tpu.memref_slice %arg7[%gather3A_433, %gather3A_434, %gather3A_435] : memref<4x128x128xf32, #tpu.memory_space<vmem>> -> memref<1x128x128xf32, #tpu.memory_space<vmem>>
        %gather3A_437 = tpu.memref_squeeze %gather3A_436 : memref<1x128x128xf32, #tpu.memory_space<vmem>> -> memref<128x128xf32, #tpu.memory_space<vmem>>
        %gather3A_438 = tpu.vector_load_idx %gather3A_437[%broadcast_in_dim3A, %add3A_432] : memref<128x128xf32, #tpu.memory_space<vmem>>[vector<16xi32>, vector<16xi32>], vector<16xf32>,
        %add3A_439 = arith.constant 1 : i32
        %add3A_440 = vector.broadcast %add3A_439 : i32 to vector<16xi32>
        %add3A_441 = arith.addi %add3A_432, %add3A_440 : vector<16xi32>
        %gather3A_442 = arith.constant 1 : i32
        %gather3A_443 = arith.constant 0 : i32
        %gather3A_444 = arith.constant 0 : i32
        %gather3A_445 = tpu.memref_slice %arg7[%gather3A_442, %gather3A_443, %gather3A_444] : memref<4x128x128xf32, #tpu.memory_space<vmem>> -> memref<1x128x128xf32, #tpu.memory_space<vmem>>
        %gather3A_446 = tpu.memref_squeeze %gather3A_445 : memref<1x128x128xf32, #tpu.memory_space<vmem>> -> memref<128x128xf32, #tpu.memory_space<vmem>>
        %gather3A_447 = tpu.vector_load_idx %gather3A_446[%broadcast_in_dim3A, %add3A_441] : memref<128x128xf32, #tpu.memory_space<vmem>>[vector<16xi32>, vector<16xi32>], vector<16xf32>,
        %max3A_448 = arith.maximumf %gather3A_438, %gather3A_447 : vector<16xf32>
        %swap3A_449 = arith.constant 1 : i32
        %swap3A_450 = arith.index_cast %swap3A_449 : i32 to index
        %swap3A_451 = arith.index_cast %add3A_402 : i32 to index
        %swap3A_452 = arith.constant 16 : index
        %swap3A_453 = tpu.vector_load %arg8[%swap3A_450, %swap3A_451, %swap3A_452] {strides = array<i32>} : memref<2x128x64xf32, #tpu.memory_space<vmem>>, vector<16xf32>,
        tpu.vector_store %arg8[%swap3A_450, %swap3A_451, %swap3A_452], %max3A_448 {strides = array<i32>} : memref<2x128x64xf32, #tpu.memory_space<vmem>>, vector<16xf32>,
        %mul3A_454 = arith.constant 2 : i32
        %mul3A_455 = vector.broadcast %mul3A_454 : i32 to vector<16xi32>
        %mul3A_456 = arith.muli %mul3A_455, %iota3A : vector<16xi32>
        %add3A_457 = arith.constant 64 : i32
        %add3A_458 = vector.broadcast %add3A_457 : i32 to vector<16xi32>
        %add3A_459 = arith.addi %add3A_458, %mul3A_456 : vector<16xi32>
        %gather3A_460 = arith.constant 1 : i32
        %gather3A_461 = arith.constant 0 : i32
        %gather3A_462 = arith.constant 0 : i32
        %gather3A_463 = tpu.memref_slice %arg7[%gather3A_460, %gather3A_461, %gather3A_462] : memref<4x128x128xf32, #tpu.memory_space<vmem>> -> memref<1x128x128xf32, #tpu.memory_space<vmem>>
        %gather3A_464 = tpu.memref_squeeze %gather3A_463 : memref<1x128x128xf32, #tpu.memory_space<vmem>> -> memref<128x128xf32, #tpu.memory_space<vmem>>
        %gather3A_465 = tpu.vector_load_idx %gather3A_464[%broadcast_in_dim3A, %add3A_459] : memref<128x128xf32, #tpu.memory_space<vmem>>[vector<16xi32>, vector<16xi32>], vector<16xf32>,
        %add3A_466 = arith.constant 1 : i32
        %add3A_467 = vector.broadcast %add3A_466 : i32 to vector<16xi32>
        %add3A_468 = arith.addi %add3A_459, %add3A_467 : vector<16xi32>
        %gather3A_469 = arith.constant 1 : i32
        %gather3A_470 = arith.constant 0 : i32
        %gather3A_471 = arith.constant 0 : i32
        %gather3A_472 = tpu.memref_slice %arg7[%gather3A_469, %gather3A_470, %gather3A_471] : memref<4x128x128xf32, #tpu.memory_space<vmem>> -> memref<1x128x128xf32, #tpu.memory_space<vmem>>
        %gather3A_473 = tpu.memref_squeeze %gather3A_472 : memref<1x128x128xf32, #tpu.memory_space<vmem>> -> memref<128x128xf32, #tpu.memory_space<vmem>>
        %gather3A_474 = tpu.vector_load_idx %gather3A_473[%broadcast_in_dim3A, %add3A_468] : memref<128x128xf32, #tpu.memory_space<vmem>>[vector<16xi32>, vector<16xi32>], vector<16xf32>,
        %max3A_475 = arith.maximumf %gather3A_465, %gather3A_474 : vector<16xf32>
        %swap3A_476 = arith.constant 1 : i32
        %swap3A_477 = arith.index_cast %swap3A_476 : i32 to index
        %swap3A_478 = arith.index_cast %add3A_402 : i32 to index
        %swap3A_479 = arith.constant 32 : index
        %swap3A_480 = tpu.vector_load %arg8[%swap3A_477, %swap3A_478, %swap3A_479] {strides = array<i32>} : memref<2x128x64xf32, #tpu.memory_space<vmem>>, vector<16xf32>,
        tpu.vector_store %arg8[%swap3A_477, %swap3A_478, %swap3A_479], %max3A_475 {strides = array<i32>} : memref<2x128x64xf32, #tpu.memory_space<vmem>>, vector<16xf32>,
        %mul3A_481 = arith.constant 2 : i32
        %mul3A_482 = vector.broadcast %mul3A_481 : i32 to vector<16xi32>
        %mul3A_483 = arith.muli %mul3A_482, %iota3A : vector<16xi32>
        %add3A_484 = arith.constant 96 : i32
        %add3A_485 = vector.broadcast %add3A_484 : i32 to vector<16xi32>
        %add3A_486 = arith.addi %add3A_485, %mul3A_483 : vector<16xi32>
        %gather3A_487 = arith.constant 1 : i32
        %gather3A_488 = arith.constant 0 : i32
        %gather3A_489 = arith.constant 0 : i32
        %gather3A_490 = tpu.memref_slice %arg7[%gather3A_487, %gather3A_488, %gather3A_489] : memref<4x128x128xf32, #tpu.memory_space<vmem>> -> memref<1x128x128xf32, #tpu.memory_space<vmem>>
        %gather3A_491 = tpu.memref_squeeze %gather3A_490 : memref<1x128x128xf32, #tpu.memory_space<vmem>> -> memref<128x128xf32, #tpu.memory_space<vmem>>
        %gather3A_492 = tpu.vector_load_idx %gather3A_491[%broadcast_in_dim3A, %add3A_486] : memref<128x128xf32, #tpu.memory_space<vmem>>[vector<16xi32>, vector<16xi32>], vector<16xf32>,
        %add3A_493 = arith.constant 1 : i32
        %add3A_494 = vector.broadcast %add3A_493 : i32 to vector<16xi32>
        %add3A_495 = arith.addi %add3A_486, %add3A_494 : vector<16xi32>
        %gather3A_496 = arith.constant 1 : i32
        %gather3A_497 = arith.constant 0 : i32
        %gather3A_498 = arith.constant 0 : i32
        %gather3A_499 = tpu.memref_slice %arg7[%gather3A_496, %gather3A_497, %gather3A_498] : memref<4x128x128xf32, #tpu.memory_space<vmem>> -> memref<1x128x128xf32, #tpu.memory_space<vmem>>
        %gather3A_500 = tpu.memref_squeeze %gather3A_499 : memref<1x128x128xf32, #tpu.memory_space<vmem>> -> memref<128x128xf32, #tpu.memory_space<vmem>>
        %gather3A_501 = tpu.vector_load_idx %gather3A_500[%broadcast_in_dim3A, %add3A_495] : memref<128x128xf32, #tpu.memory_space<vmem>>[vector<16xi32>, vector<16xi32>], vector<16xf32>,
        %max3A_502 = arith.maximumf %gather3A_492, %gather3A_501 : vector<16xf32>
        %swap3A_503 = arith.constant 1 : i32
        %swap3A_504 = arith.index_cast %swap3A_503 : i32 to index
        %swap3A_505 = arith.index_cast %add3A_402 : i32 to index
        %swap3A_506 = arith.constant 48 : index
        %swap3A_507 = tpu.vector_load %arg8[%swap3A_504, %swap3A_505, %swap3A_506] {strides = array<i32>} : memref<2x128x64xf32, #tpu.memory_space<vmem>>, vector<16xf32>,
        tpu.vector_store %arg8[%swap3A_504, %swap3A_505, %swap3A_506], %max3A_502 {strides = array<i32>} : memref<2x128x64xf32, #tpu.memory_space<vmem>>, vector<16xf32>,
      }
      %scan3A_228 = arith.constant 128 : i32
      %mul3A_229 = arith.constant 128 : i32
      %mul3A_230 = arith.muli %add3A_202, %mul3A_229 : i32
      %add3A_231 = arith.addi %mul3A_2, %mul3A_230 : i32
      %dma_start3A_232 = arith.constant 1 : i32
      %dma_start3A_233 = arith.constant 0 : i32
      %dma_start3A_234 = arith.constant 0 : i32
      %dma_start3A_235 = tpu.memref_slice %arg7[%dma_start3A_232, %dma_start3A_233, %dma_start3A_234] : memref<4x128x128xf32, #tpu.memory_space<vmem>> -> memref<1x128x128xf32, #tpu.memory_space<vmem>>
      %dma_start3A_236 = tpu.memref_squeeze %dma_start3A_235 : memref<1x128x128xf32, #tpu.memory_space<vmem>> -> memref<128x128xf32, #tpu.memory_space<vmem>>
      %dma_start3A_237 = arith.constant 0 : i32
      %dma_start3A_238 = tpu.memref_slice %arg4[%add3A_231, %dma_start3A_237] : memref<819200x128xf32, #tpu.memory_space<hbm>> -> memref<128x128xf32, #tpu.memory_space<hbm>>
      %dma_start3A_239 = arith.constant 0 : i32
      %dma_start3A_240 = tpu.memref_slice %arg4[%add3A_231, %dma_start3A_239] : memref<819200x128xf32, #tpu.memory_space<hbm>> -> memref<128x128xf32, #tpu.memory_space<hbm>>
      %dma_start3A_241 = arith.constant 0 : i32
      %dma_start3A_242 = arith.constant 0 : i32
      %dma_start3A_243 = tpu.memref_slice %arg7[%dma_start3A_232, %dma_start3A_241, %dma_start3A_242] : memref<4x128x128xf32, #tpu.memory_space<vmem>> -> memref<1x128x128xf32, #tpu.memory_space<vmem>>
      %dma_start3A_244 = tpu.memref_squeeze %dma_start3A_243 : memref<1x128x128xf32, #tpu.memory_space<vmem>> -> memref<128x128xf32, #tpu.memory_space<vmem>>
      tpu.enqueue_dma source(%dma_start3A_244 : memref<128x128xf32, #tpu.memory_space<vmem>>) target(%dma_start3A_240 : memref<128x128xf32, #tpu.memory_space<hbm>>) target_semaphore(%arg14 : memref<!tpu.dma_semaphore, #tpu.memory_space<semaphore_mem>>)
      %dma_start3A_245 = arith.constant 1 : i32
      %dma_start3A_246 = arith.constant 0 : i32
      %dma_start3A_247 = arith.constant 0 : i32
      %dma_start3A_248 = tpu.memref_slice %arg8[%dma_start3A_245, %dma_start3A_246, %dma_start3A_247] : memref<2x128x64xf32, #tpu.memory_space<vmem>> -> memref<1x128x64xf32, #tpu.memory_space<vmem>>
      %dma_start3A_249 = tpu.memref_squeeze %dma_start3A_248 : memref<1x128x64xf32, #tpu.memory_space<vmem>> -> memref<128x64xf32, #tpu.memory_space<vmem>>
      %dma_start3A_250 = arith.constant 0 : i32
      %dma_start3A_251 = tpu.memref_slice %arg5[%add3A_231, %dma_start3A_250] : memref<819200x64xf32, #tpu.memory_space<hbm>> -> memref<128x64xf32, #tpu.memory_space<hbm>>
      %dma_start3A_252 = arith.constant 0 : i32
      %dma_start3A_253 = tpu.memref_slice %arg5[%add3A_231, %dma_start3A_252] : memref<819200x64xf32, #tpu.memory_space<hbm>> -> memref<128x64xf32, #tpu.memory_space<hbm>>
      %dma_start3A_254 = arith.constant 0 : i32
      %dma_start3A_255 = arith.constant 0 : i32
      %dma_start3A_256 = tpu.memref_slice %arg8[%dma_start3A_245, %dma_start3A_254, %dma_start3A_255] : memref<2x128x64xf32, #tpu.memory_space<vmem>> -> memref<1x128x64xf32, #tpu.memory_space<vmem>>
      %dma_start3A_257 = tpu.memref_squeeze %dma_start3A_256 : memref<1x128x64xf32, #tpu.memory_space<vmem>> -> memref<128x64xf32, #tpu.memory_space<vmem>>
      tpu.enqueue_dma source(%dma_start3A_257 : memref<128x64xf32, #tpu.memory_space<vmem>>) target(%dma_start3A_253 : memref<128x64xf32, #tpu.memory_space<hbm>>) target_semaphore(%arg18 : memref<!tpu.dma_semaphore, #tpu.memory_space<semaphore_mem>>)
      %mul3A_258 = arith.constant 4 : i32
      %mul3A_259 = arith.muli %add3A_137, %mul3A_258 : i32
      %add3A_260 = arith.constant 2 : i32
      %add3A_261 = arith.addi %mul3A_259, %add3A_260 : i32
      %dma_wait3A_262 = arith.constant 0 : i32
      %dma_wait3A_263 = arith.constant 2 : i32
      %dma_wait3A_264 = arith.constant 0 : i32
      %dma_wait3A_265 = arith.constant 0 : i32
      %dma_wait3A_266 = tpu.memref_slice %arg7[%dma_wait3A_263, %dma_wait3A_264, %dma_wait3A_265] : memref<4x128x128xf32, #tpu.memory_space<vmem>> -> memref<1x128x128xf32, #tpu.memory_space<vmem>>
      %dma_wait3A_267 = tpu.memref_squeeze %dma_wait3A_266 : memref<1x128x128xf32, #tpu.memory_space<vmem>> -> memref<128x128xf32, #tpu.memory_space<vmem>>
      %dma_wait3A_268 = arith.constant 0 : i32
      %dma_wait3A_269 = tpu.memref_slice %arg6[%dma_wait3A_262, %dma_wait3A_268] : memref<200x128xi32, #tpu.memory_space<vmem>> -> memref<1x128xi32, #tpu.memory_space<vmem>>
      %dma_wait3A_270 = tpu.memref_squeeze %dma_wait3A_269 : memref<1x128xi32, #tpu.memory_space<vmem>> -> memref<128xi32, #tpu.memory_space<vmem>>
      %dma_wait3A_271 = arith.constant 0 : i32
      %dma_wait3A_272 = arith.constant 0 : i32
      %dma_wait3A_273 = tpu.memref_slice %arg3[%dma_wait3A_271, %dma_wait3A_272] : memref<262x128xf32, #tpu.memory_space<hbm>> -> memref<262x128xf32, #tpu.memory_space<hbm>>
      tpu.wait_indirect_dma semaphore(%arg11 : memref<!tpu.dma_semaphore, #tpu.memory_space<semaphore_mem>>) src(%dma_wait3A_273 : memref<262x128xf32, #tpu.memory_space<hbm>>) dst(%dma_wait3A_267 : memref<128x128xf32, #tpu.memory_space<vmem>>)
      %lt3A_274 = arith.constant 49 : i32
      %lt3A_275 = arith.cmpi slt, %add3A_137, %lt3A_274 : i32
      %convert_element_type3A_276 = arith.extui %lt3A_275 : i1 to i32
      %cond3A_277 = arith.constant 0 : i32
      %cond3A_278 = arith.cmpi ne, %convert_element_type3A_276, %cond3A_277 : i32
      scf.if %cond3A_278 {
        %dma_wait3A_398 = arith.constant 1 : i32
        %dma_wait3A_399 = arith.constant 0 : i32
        %dma_wait3A_400 = arith.constant 0 : i32
        %dma_wait3A_401 = tpu.memref_slice %arg7[%dma_wait3A_398, %dma_wait3A_399, %dma_wait3A_400] : memref<4x128x128xf32, #tpu.memory_space<vmem>> -> memref<1x128x128xf32, #tpu.memory_space<vmem>>
        %dma_wait3A_402 = tpu.memref_squeeze %dma_wait3A_401 : memref<1x128x128xf32, #tpu.memory_space<vmem>> -> memref<128x128xf32, #tpu.memory_space<vmem>>
        %dma_wait3A_403 = arith.constant 0 : i32
        %dma_wait3A_404 = arith.constant 0 : i32
        %dma_wait3A_405 = tpu.memref_slice %arg4[%dma_wait3A_403, %dma_wait3A_404] : memref<819200x128xf32, #tpu.memory_space<hbm>> -> memref<128x128xf32, #tpu.memory_space<hbm>>
        %dma_wait3A_406 = arith.constant 0 : i32
        %dma_wait3A_407 = arith.constant 0 : i32
        %dma_wait3A_408 = tpu.memref_slice %arg4[%dma_wait3A_406, %dma_wait3A_407] : memref<819200x128xf32, #tpu.memory_space<hbm>> -> memref<128x128xf32, #tpu.memory_space<hbm>>
        %dma_wait3A_409 = arith.constant 0 : i32
        %dma_wait3A_410 = arith.constant 0 : i32
        %dma_wait3A_411 = tpu.memref_slice %arg7[%dma_wait3A_398, %dma_wait3A_409, %dma_wait3A_410] : memref<4x128x128xf32, #tpu.memory_space<vmem>> -> memref<1x128x128xf32, #tpu.memory_space<vmem>>
        %dma_wait3A_412 = tpu.memref_squeeze %dma_wait3A_411 : memref<1x128x128xf32, #tpu.memory_space<vmem>> -> memref<128x128xf32, #tpu.memory_space<vmem>>
        tpu.wait_dma2 semaphore(%arg14 : memref<!tpu.dma_semaphore, #tpu.memory_space<semaphore_mem>>) src(%dma_wait3A_412 : memref<128x128xf32, #tpu.memory_space<vmem>>) dst(%dma_wait3A_408 : memref<128x128xf32, #tpu.memory_space<hbm>>)
        %add3A_413 = arith.constant 1 : i32
        %add3A_414 = arith.addi %add3A_137, %add3A_413 : i32
        %mul3A_415 = arith.constant 4 : i32
        %mul3A_416 = arith.muli %add3A_414, %mul3A_415 : i32
        %add3A_417 = arith.constant 2 : i32
        %add3A_418 = arith.addi %mul3A_416, %add3A_417 : i32
        %sub3A = arith.constant 1 : i32
        %sub3A_419 = arith.subi %add3A_418, %sub3A : i32
        %dma_start3A_420 = arith.constant 1 : i32
        %dma_start3A_421 = arith.constant 0 : i32
        %dma_start3A_422 = arith.constant 0 : i32
        %dma_start3A_423 = tpu.memref_slice %arg7[%dma_start3A_420, %dma_start3A_421, %dma_start3A_422] : memref<4x128x128xf32, #tpu.memory_space<vmem>> -> memref<1x128x128xf32, #tpu.memory_space<vmem>>
        %dma_start3A_424 = tpu.memref_squeeze %dma_start3A_423 : memref<1x128x128xf32, #tpu.memory_space<vmem>> -> memref<128x128xf32, #tpu.memory_space<vmem>>
        %dma_start3A_425 = arith.constant 0 : i32
        %dma_start3A_426 = tpu.memref_slice %arg6[%sub3A_419, %dma_start3A_425] : memref<200x128xi32, #tpu.memory_space<vmem>> -> memref<1x128xi32, #tpu.memory_space<vmem>>
        %dma_start3A_427 = tpu.memref_squeeze %dma_start3A_426 : memref<1x128xi32, #tpu.memory_space<vmem>> -> memref<128xi32, #tpu.memory_space<vmem>>
        %dma_start3A_428 = arith.constant 0 : i32
        %dma_start3A_429 = arith.constant 0 : i32
        %dma_start3A_430 = tpu.memref_slice %arg3[%dma_start3A_428, %dma_start3A_429] : memref<262x128xf32, #tpu.memory_space<hbm>> -> memref<262x128xf32, #tpu.memory_space<hbm>>
        tpu.enqueue_indirect_dma source(%dma_start3A_430 : memref<262x128xf32, #tpu.memory_space<hbm>>) target(%dma_start3A_424 : memref<128x128xf32, #tpu.memory_space<vmem>>) offsets(%dma_start3A_427 : memref<128xi32, #tpu.memory_space<vmem>>) semaphore(%arg10 : memref<!tpu.dma_semaphore, #tpu.memory_space<semaphore_mem>>)
      } else {
      }
      %dma_wait3A_279 = arith.constant 0 : i32
      %dma_wait3A_280 = arith.constant 0 : i32
      %dma_wait3A_281 = arith.constant 0 : i32
      %dma_wait3A_282 = tpu.memref_slice %arg8[%dma_wait3A_279, %dma_wait3A_280, %dma_wait3A_281] : memref<2x128x64xf32, #tpu.memory_space<vmem>> -> memref<1x128x64xf32, #tpu.memory_space<vmem>>
      %dma_wait3A_283 = tpu.memref_squeeze %dma_wait3A_282 : memref<1x128x64xf32, #tpu.memory_space<vmem>> -> memref<128x64xf32, #tpu.memory_space<vmem>>
      %dma_wait3A_284 = arith.constant 0 : i32
      %dma_wait3A_285 = arith.constant 0 : i32
      %dma_wait3A_286 = tpu.memref_slice %arg5[%dma_wait3A_284, %dma_wait3A_285] : memref<819200x64xf32, #tpu.memory_space<hbm>> -> memref<128x64xf32, #tpu.memory_space<hbm>>
      %dma_wait3A_287 = arith.constant 0 : i32
      %dma_wait3A_288 = arith.constant 0 : i32
      %dma_wait3A_289 = tpu.memref_slice %arg5[%dma_wait3A_287, %dma_wait3A_288] : memref<819200x64xf32, #tpu.memory_space<hbm>> -> memref<128x64xf32, #tpu.memory_space<hbm>>
      %dma_wait3A_290 = arith.constant 0 : i32
      %dma_wait3A_291 = arith.constant 0 : i32
      %dma_wait3A_292 = tpu.memref_slice %arg8[%dma_wait3A_279, %dma_wait3A_290, %dma_wait3A_291] : memref<2x128x64xf32, #tpu.memory_space<vmem>> -> memref<1x128x64xf32, #tpu.memory_space<vmem>>
      %dma_wait3A_293 = tpu.memref_squeeze %dma_wait3A_292 : memref<1x128x64xf32, #tpu.memory_space<vmem>> -> memref<128x64xf32, #tpu.memory_space<vmem>>
      tpu.wait_dma2 semaphore(%arg17 : memref<!tpu.dma_semaphore, #tpu.memory_space<semaphore_mem>>) src(%dma_wait3A_293 : memref<128x64xf32, #tpu.memory_space<vmem>>) dst(%dma_wait3A_289 : memref<128x64xf32, #tpu.memory_space<hbm>>)
      %scan3A_294 = arith.constant 0 : i32
      %scan3A_295 = arith.constant 128 : i32
      %scan3A_296 = arith.addi %scan3A_294, %scan3A_295 : i32
      %scan3A_297 = arith.constant 1 : i32
      scf.for %scan3A_398 = %scan3A_294 to %scan3A_296 step %scan3A_297  : i32 {
        %mul3A_399 = arith.constant 1 : i32
        %mul3A_400 = arith.muli %scan3A_398, %mul3A_399 : i32
        %add3A_401 = arith.constant 0 : i32
        %add3A_402 = arith.addi %add3A_401, %mul3A_400 : i32
        %broadcast_in_dim3A = vector.broadcast %add3A_402 : i32 to vector<16xi32>
        %mul3A_403 = arith.constant 2 : i32
        %mul3A_404 = vector.broadcast %mul3A_403 : i32 to vector<16xi32>
        %mul3A_405 = arith.muli %mul3A_404, %iota3A : vector<16xi32>
        %add3A_406 = arith.constant 0 : i32
        %add3A_407 = vector.broadcast %add3A_406 : i32 to vector<16xi32>
        %add3A_408 = arith.addi %add3A_407, %mul3A_405 : vector<16xi32>
        %gather3A = arith.constant 2 : i32
        %gather3A_409 = arith.constant 0 : i32
        %gather3A_410 = arith.constant 0 : i32
        %gather3A_411 = tpu.memref_slice %arg7[%gather3A, %gather3A_409, %gather3A_410] : memref<4x128x128xf32, #tpu.memory_space<vmem>> -> memref<1x128x128xf32, #tpu.memory_space<vmem>>
        %gather3A_412 = tpu.memref_squeeze %gather3A_411 : memref<1x128x128xf32, #tpu.memory_space<vmem>> -> memref<128x128xf32, #tpu.memory_space<vmem>>
        %gather3A_413 = tpu.vector_load_idx %gather3A_412[%broadcast_in_dim3A, %add3A_408] : memref<128x128xf32, #tpu.memory_space<vmem>>[vector<16xi32>, vector<16xi32>], vector<16xf32>,
        %add3A_414 = arith.constant 1 : i32
        %add3A_415 = vector.broadcast %add3A_414 : i32 to vector<16xi32>
        %add3A_416 = arith.addi %add3A_408, %add3A_415 : vector<16xi32>
        %gather3A_417 = arith.constant 2 : i32
        %gather3A_418 = arith.constant 0 : i32
        %gather3A_419 = arith.constant 0 : i32
        %gather3A_420 = tpu.memref_slice %arg7[%gather3A_417, %gather3A_418, %gather3A_419] : memref<4x128x128xf32, #tpu.memory_space<vmem>> -> memref<1x128x128xf32, #tpu.memory_space<vmem>>
        %gather3A_421 = tpu.memref_squeeze %gather3A_420 : memref<1x128x128xf32, #tpu.memory_space<vmem>> -> memref<128x128xf32, #tpu.memory_space<vmem>>
        %gather3A_422 = tpu.vector_load_idx %gather3A_421[%broadcast_in_dim3A, %add3A_416] : memref<128x128xf32, #tpu.memory_space<vmem>>[vector<16xi32>, vector<16xi32>], vector<16xf32>,
        %max3A = arith.maximumf %gather3A_413, %gather3A_422 : vector<16xf32>
        %swap3A = arith.constant 0 : i32
        %swap3A_423 = arith.index_cast %swap3A : i32 to index
        %swap3A_424 = arith.index_cast %add3A_402 : i32 to index
        %swap3A_425 = arith.constant 0 : index
        %swap3A_426 = tpu.vector_load %arg8[%swap3A_423, %swap3A_424, %swap3A_425] {strides = array<i32>} : memref<2x128x64xf32, #tpu.memory_space<vmem>>, vector<16xf32>,
        tpu.vector_store %arg8[%swap3A_423, %swap3A_424, %swap3A_425], %max3A {strides = array<i32>} : memref<2x128x64xf32, #tpu.memory_space<vmem>>, vector<16xf32>,
        %mul3A_427 = arith.constant 2 : i32
        %mul3A_428 = vector.broadcast %mul3A_427 : i32 to vector<16xi32>
        %mul3A_429 = arith.muli %mul3A_428, %iota3A : vector<16xi32>
        %add3A_430 = arith.constant 32 : i32
        %add3A_431 = vector.broadcast %add3A_430 : i32 to vector<16xi32>
        %add3A_432 = arith.addi %add3A_431, %mul3A_429 : vector<16xi32>
        %gather3A_433 = arith.constant 2 : i32
        %gather3A_434 = arith.constant 0 : i32
        %gather3A_435 = arith.constant 0 : i32
        %gather3A_436 = tpu.memref_slice %arg7[%gather3A_433, %gather3A_434, %gather3A_435] : memref<4x128x128xf32, #tpu.memory_space<vmem>> -> memref<1x128x128xf32, #tpu.memory_space<vmem>>
        %gather3A_437 = tpu.memref_squeeze %gather3A_436 : memref<1x128x128xf32, #tpu.memory_space<vmem>> -> memref<128x128xf32, #tpu.memory_space<vmem>>
        %gather3A_438 = tpu.vector_load_idx %gather3A_437[%broadcast_in_dim3A, %add3A_432] : memref<128x128xf32, #tpu.memory_space<vmem>>[vector<16xi32>, vector<16xi32>], vector<16xf32>,
        %add3A_439 = arith.constant 1 : i32
        %add3A_440 = vector.broadcast %add3A_439 : i32 to vector<16xi32>
        %add3A_441 = arith.addi %add3A_432, %add3A_440 : vector<16xi32>
        %gather3A_442 = arith.constant 2 : i32
        %gather3A_443 = arith.constant 0 : i32
        %gather3A_444 = arith.constant 0 : i32
        %gather3A_445 = tpu.memref_slice %arg7[%gather3A_442, %gather3A_443, %gather3A_444] : memref<4x128x128xf32, #tpu.memory_space<vmem>> -> memref<1x128x128xf32, #tpu.memory_space<vmem>>
        %gather3A_446 = tpu.memref_squeeze %gather3A_445 : memref<1x128x128xf32, #tpu.memory_space<vmem>> -> memref<128x128xf32, #tpu.memory_space<vmem>>
        %gather3A_447 = tpu.vector_load_idx %gather3A_446[%broadcast_in_dim3A, %add3A_441] : memref<128x128xf32, #tpu.memory_space<vmem>>[vector<16xi32>, vector<16xi32>], vector<16xf32>,
        %max3A_448 = arith.maximumf %gather3A_438, %gather3A_447 : vector<16xf32>
        %swap3A_449 = arith.constant 0 : i32
        %swap3A_450 = arith.index_cast %swap3A_449 : i32 to index
        %swap3A_451 = arith.index_cast %add3A_402 : i32 to index
        %swap3A_452 = arith.constant 16 : index
        %swap3A_453 = tpu.vector_load %arg8[%swap3A_450, %swap3A_451, %swap3A_452] {strides = array<i32>} : memref<2x128x64xf32, #tpu.memory_space<vmem>>, vector<16xf32>,
        tpu.vector_store %arg8[%swap3A_450, %swap3A_451, %swap3A_452], %max3A_448 {strides = array<i32>} : memref<2x128x64xf32, #tpu.memory_space<vmem>>, vector<16xf32>,
        %mul3A_454 = arith.constant 2 : i32
        %mul3A_455 = vector.broadcast %mul3A_454 : i32 to vector<16xi32>
        %mul3A_456 = arith.muli %mul3A_455, %iota3A : vector<16xi32>
        %add3A_457 = arith.constant 64 : i32
        %add3A_458 = vector.broadcast %add3A_457 : i32 to vector<16xi32>
        %add3A_459 = arith.addi %add3A_458, %mul3A_456 : vector<16xi32>
        %gather3A_460 = arith.constant 2 : i32
        %gather3A_461 = arith.constant 0 : i32
        %gather3A_462 = arith.constant 0 : i32
        %gather3A_463 = tpu.memref_slice %arg7[%gather3A_460, %gather3A_461, %gather3A_462] : memref<4x128x128xf32, #tpu.memory_space<vmem>> -> memref<1x128x128xf32, #tpu.memory_space<vmem>>
        %gather3A_464 = tpu.memref_squeeze %gather3A_463 : memref<1x128x128xf32, #tpu.memory_space<vmem>> -> memref<128x128xf32, #tpu.memory_space<vmem>>
        %gather3A_465 = tpu.vector_load_idx %gather3A_464[%broadcast_in_dim3A, %add3A_459] : memref<128x128xf32, #tpu.memory_space<vmem>>[vector<16xi32>, vector<16xi32>], vector<16xf32>,
        %add3A_466 = arith.constant 1 : i32
        %add3A_467 = vector.broadcast %add3A_466 : i32 to vector<16xi32>
        %add3A_468 = arith.addi %add3A_459, %add3A_467 : vector<16xi32>
        %gather3A_469 = arith.constant 2 : i32
        %gather3A_470 = arith.constant 0 : i32
        %gather3A_471 = arith.constant 0 : i32
        %gather3A_472 = tpu.memref_slice %arg7[%gather3A_469, %gather3A_470, %gather3A_471] : memref<4x128x128xf32, #tpu.memory_space<vmem>> -> memref<1x128x128xf32, #tpu.memory_space<vmem>>
        %gather3A_473 = tpu.memref_squeeze %gather3A_472 : memref<1x128x128xf32, #tpu.memory_space<vmem>> -> memref<128x128xf32, #tpu.memory_space<vmem>>
        %gather3A_474 = tpu.vector_load_idx %gather3A_473[%broadcast_in_dim3A, %add3A_468] : memref<128x128xf32, #tpu.memory_space<vmem>>[vector<16xi32>, vector<16xi32>], vector<16xf32>,
        %max3A_475 = arith.maximumf %gather3A_465, %gather3A_474 : vector<16xf32>
        %swap3A_476 = arith.constant 0 : i32
        %swap3A_477 = arith.index_cast %swap3A_476 : i32 to index
        %swap3A_478 = arith.index_cast %add3A_402 : i32 to index
        %swap3A_479 = arith.constant 32 : index
        %swap3A_480 = tpu.vector_load %arg8[%swap3A_477, %swap3A_478, %swap3A_479] {strides = array<i32>} : memref<2x128x64xf32, #tpu.memory_space<vmem>>, vector<16xf32>,
        tpu.vector_store %arg8[%swap3A_477, %swap3A_478, %swap3A_479], %max3A_475 {strides = array<i32>} : memref<2x128x64xf32, #tpu.memory_space<vmem>>, vector<16xf32>,
        %mul3A_481 = arith.constant 2 : i32
        %mul3A_482 = vector.broadcast %mul3A_481 : i32 to vector<16xi32>
        %mul3A_483 = arith.muli %mul3A_482, %iota3A : vector<16xi32>
        %add3A_484 = arith.constant 96 : i32
        %add3A_485 = vector.broadcast %add3A_484 : i32 to vector<16xi32>
        %add3A_486 = arith.addi %add3A_485, %mul3A_483 : vector<16xi32>
        %gather3A_487 = arith.constant 2 : i32
        %gather3A_488 = arith.constant 0 : i32
        %gather3A_489 = arith.constant 0 : i32
        %gather3A_490 = tpu.memref_slice %arg7[%gather3A_487, %gather3A_488, %gather3A_489] : memref<4x128x128xf32, #tpu.memory_space<vmem>> -> memref<1x128x128xf32, #tpu.memory_space<vmem>>
        %gather3A_491 = tpu.memref_squeeze %gather3A_490 : memref<1x128x128xf32, #tpu.memory_space<vmem>> -> memref<128x128xf32, #tpu.memory_space<vmem>>
        %gather3A_492 = tpu.vector_load_idx %gather3A_491[%broadcast_in_dim3A, %add3A_486] : memref<128x128xf32, #tpu.memory_space<vmem>>[vector<16xi32>, vector<16xi32>], vector<16xf32>,
        %add3A_493 = arith.constant 1 : i32
        %add3A_494 = vector.broadcast %add3A_493 : i32 to vector<16xi32>
        %add3A_495 = arith.addi %add3A_486, %add3A_494 : vector<16xi32>
        %gather3A_496 = arith.constant 2 : i32
        %gather3A_497 = arith.constant 0 : i32
        %gather3A_498 = arith.constant 0 : i32
        %gather3A_499 = tpu.memref_slice %arg7[%gather3A_496, %gather3A_497, %gather3A_498] : memref<4x128x128xf32, #tpu.memory_space<vmem>> -> memref<1x128x128xf32, #tpu.memory_space<vmem>>
        %gather3A_500 = tpu.memref_squeeze %gather3A_499 : memref<1x128x128xf32, #tpu.memory_space<vmem>> -> memref<128x128xf32, #tpu.memory_space<vmem>>
        %gather3A_501 = tpu.vector_load_idx %gather3A_500[%broadcast_in_dim3A, %add3A_495] : memref<128x128xf32, #tpu.memory_space<vmem>>[vector<16xi32>, vector<16xi32>], vector<16xf32>,
        %max3A_502 = arith.maximumf %gather3A_492, %gather3A_501 : vector<16xf32>
        %swap3A_503 = arith.constant 0 : i32
        %swap3A_504 = arith.index_cast %swap3A_503 : i32 to index
        %swap3A_505 = arith.index_cast %add3A_402 : i32 to index
        %swap3A_506 = arith.constant 48 : index
        %swap3A_507 = tpu.vector_load %arg8[%swap3A_504, %swap3A_505, %swap3A_506] {strides = array<i32>} : memref<2x128x64xf32, #tpu.memory_space<vmem>>, vector<16xf32>,
        tpu.vector_store %arg8[%swap3A_504, %swap3A_505, %swap3A_506], %max3A_502 {strides = array<i32>} : memref<2x128x64xf32, #tpu.memory_space<vmem>>, vector<16xf32>,
      }
      %scan3A_298 = arith.constant 128 : i32
      %mul3A_299 = arith.constant 128 : i32
      %mul3A_300 = arith.muli %add3A_261, %mul3A_299 : i32
      %add3A_301 = arith.addi %mul3A_2, %mul3A_300 : i32
      %dma_start3A_302 = arith.constant 2 : i32
      %dma_start3A_303 = arith.constant 0 : i32
      %dma_start3A_304 = arith.constant 0 : i32
      %dma_start3A_305 = tpu.memref_slice %arg7[%dma_start3A_302, %dma_start3A_303, %dma_start3A_304] : memref<4x128x128xf32, #tpu.memory_space<vmem>> -> memref<1x128x128xf32, #tpu.memory_space<vmem>>
      %dma_start3A_306 = tpu.memref_squeeze %dma_start3A_305 : memref<1x128x128xf32, #tpu.memory_space<vmem>> -> memref<128x128xf32, #tpu.memory_space<vmem>>
      %dma_start3A_307 = arith.constant 0 : i32
      %dma_start3A_308 = tpu.memref_slice %arg4[%add3A_301, %dma_start3A_307] : memref<819200x128xf32, #tpu.memory_space<hbm>> -> memref<128x128xf32, #tpu.memory_space<hbm>>
      %dma_start3A_309 = arith.constant 0 : i32
      %dma_start3A_310 = tpu.memref_slice %arg4[%add3A_301, %dma_start3A_309] : memref<819200x128xf32, #tpu.memory_space<hbm>> -> memref<128x128xf32, #tpu.memory_space<hbm>>
      %dma_start3A_311 = arith.constant 0 : i32
      %dma_start3A_312 = arith.constant 0 : i32
      %dma_start3A_313 = tpu.memref_slice %arg7[%dma_start3A_302, %dma_start3A_311, %dma_start3A_312] : memref<4x128x128xf32, #tpu.memory_space<vmem>> -> memref<1x128x128xf32, #tpu.memory_space<vmem>>
      %dma_start3A_314 = tpu.memref_squeeze %dma_start3A_313 : memref<1x128x128xf32, #tpu.memory_space<vmem>> -> memref<128x128xf32, #tpu.memory_space<vmem>>
      tpu.enqueue_dma source(%dma_start3A_314 : memref<128x128xf32, #tpu.memory_space<vmem>>) target(%dma_start3A_310 : memref<128x128xf32, #tpu.memory_space<hbm>>) target_semaphore(%arg15 : memref<!tpu.dma_semaphore, #tpu.memory_space<semaphore_mem>>)
      %dma_start3A_315 = arith.constant 0 : i32
      %dma_start3A_316 = arith.constant 0 : i32
      %dma_start3A_317 = arith.constant 0 : i32
      %dma_start3A_318 = tpu.memref_slice %arg8[%dma_start3A_315, %dma_start3A_316, %dma_start3A_317] : memref<2x128x64xf32, #tpu.memory_space<vmem>> -> memref<1x128x64xf32, #tpu.memory_space<vmem>>
      %dma_start3A_319 = tpu.memref_squeeze %dma_start3A_318 : memref<1x128x64xf32, #tpu.memory_space<vmem>> -> memref<128x64xf32, #tpu.memory_space<vmem>>
      %dma_start3A_320 = arith.constant 0 : i32
      %dma_start3A_321 = tpu.memref_slice %arg5[%add3A_301, %dma_start3A_320] : memref<819200x64xf32, #tpu.memory_space<hbm>> -> memref<128x64xf32, #tpu.memory_space<hbm>>
      %dma_start3A_322 = arith.constant 0 : i32
      %dma_start3A_323 = tpu.memref_slice %arg5[%add3A_301, %dma_start3A_322] : memref<819200x64xf32, #tpu.memory_space<hbm>> -> memref<128x64xf32, #tpu.memory_space<hbm>>
      %dma_start3A_324 = arith.constant 0 : i32
      %dma_start3A_325 = arith.constant 0 : i32
      %dma_start3A_326 = tpu.memref_slice %arg8[%dma_start3A_315, %dma_start3A_324, %dma_start3A_325] : memref<2x128x64xf32, #tpu.memory_space<vmem>> -> memref<1x128x64xf32, #tpu.memory_space<vmem>>
      %dma_start3A_327 = tpu.memref_squeeze %dma_start3A_326 : memref<1x128x64xf32, #tpu.memory_space<vmem>> -> memref<128x64xf32, #tpu.memory_space<vmem>>
      tpu.enqueue_dma source(%dma_start3A_327 : memref<128x64xf32, #tpu.memory_space<vmem>>) target(%dma_start3A_323 : memref<128x64xf32, #tpu.memory_space<hbm>>) target_semaphore(%arg17 : memref<!tpu.dma_semaphore, #tpu.memory_space<semaphore_mem>>)
      %mul3A_328 = arith.constant 4 : i32
      %mul3A_329 = arith.muli %add3A_137, %mul3A_328 : i32
      %add3A_330 = arith.constant 3 : i32
      %add3A_331 = arith.addi %mul3A_329, %add3A_330 : i32
      %dma_wait3A_332 = arith.constant 0 : i32
      %dma_wait3A_333 = arith.constant 3 : i32
      %dma_wait3A_334 = arith.constant 0 : i32
      %dma_wait3A_335 = arith.constant 0 : i32
      %dma_wait3A_336 = tpu.memref_slice %arg7[%dma_wait3A_333, %dma_wait3A_334, %dma_wait3A_335] : memref<4x128x128xf32, #tpu.memory_space<vmem>> -> memref<1x128x128xf32, #tpu.memory_space<vmem>>
      %dma_wait3A_337 = tpu.memref_squeeze %dma_wait3A_336 : memref<1x128x128xf32, #tpu.memory_space<vmem>> -> memref<128x128xf32, #tpu.memory_space<vmem>>
      %dma_wait3A_338 = arith.constant 0 : i32
      %dma_wait3A_339 = tpu.memref_slice %arg6[%dma_wait3A_332, %dma_wait3A_338] : memref<200x128xi32, #tpu.memory_space<vmem>> -> memref<1x128xi32, #tpu.memory_space<vmem>>
      %dma_wait3A_340 = tpu.memref_squeeze %dma_wait3A_339 : memref<1x128xi32, #tpu.memory_space<vmem>> -> memref<128xi32, #tpu.memory_space<vmem>>
      %dma_wait3A_341 = arith.constant 0 : i32
      %dma_wait3A_342 = arith.constant 0 : i32
      %dma_wait3A_343 = tpu.memref_slice %arg3[%dma_wait3A_341, %dma_wait3A_342] : memref<262x128xf32, #tpu.memory_space<hbm>> -> memref<262x128xf32, #tpu.memory_space<hbm>>
      tpu.wait_indirect_dma semaphore(%arg12 : memref<!tpu.dma_semaphore, #tpu.memory_space<semaphore_mem>>) src(%dma_wait3A_343 : memref<262x128xf32, #tpu.memory_space<hbm>>) dst(%dma_wait3A_337 : memref<128x128xf32, #tpu.memory_space<vmem>>)
      %lt3A_344 = arith.constant 49 : i32
      %lt3A_345 = arith.cmpi slt, %add3A_137, %lt3A_344 : i32
      %convert_element_type3A_346 = arith.extui %lt3A_345 : i1 to i32
      %cond3A_347 = arith.constant 0 : i32
      %cond3A_348 = arith.cmpi ne, %convert_element_type3A_346, %cond3A_347 : i32
      scf.if %cond3A_348 {
        %dma_wait3A_398 = arith.constant 2 : i32
        %dma_wait3A_399 = arith.constant 0 : i32
        %dma_wait3A_400 = arith.constant 0 : i32
        %dma_wait3A_401 = tpu.memref_slice %arg7[%dma_wait3A_398, %dma_wait3A_399, %dma_wait3A_400] : memref<4x128x128xf32, #tpu.memory_space<vmem>> -> memref<1x128x128xf32, #tpu.memory_space<vmem>>
        %dma_wait3A_402 = tpu.memref_squeeze %dma_wait3A_401 : memref<1x128x128xf32, #tpu.memory_space<vmem>> -> memref<128x128xf32, #tpu.memory_space<vmem>>
        %dma_wait3A_403 = arith.constant 0 : i32
        %dma_wait3A_404 = arith.constant 0 : i32
        %dma_wait3A_405 = tpu.memref_slice %arg4[%dma_wait3A_403, %dma_wait3A_404] : memref<819200x128xf32, #tpu.memory_space<hbm>> -> memref<128x128xf32, #tpu.memory_space<hbm>>
        %dma_wait3A_406 = arith.constant 0 : i32
        %dma_wait3A_407 = arith.constant 0 : i32
        %dma_wait3A_408 = tpu.memref_slice %arg4[%dma_wait3A_406, %dma_wait3A_407] : memref<819200x128xf32, #tpu.memory_space<hbm>> -> memref<128x128xf32, #tpu.memory_space<hbm>>
        %dma_wait3A_409 = arith.constant 0 : i32
        %dma_wait3A_410 = arith.constant 0 : i32
        %dma_wait3A_411 = tpu.memref_slice %arg7[%dma_wait3A_398, %dma_wait3A_409, %dma_wait3A_410] : memref<4x128x128xf32, #tpu.memory_space<vmem>> -> memref<1x128x128xf32, #tpu.memory_space<vmem>>
        %dma_wait3A_412 = tpu.memref_squeeze %dma_wait3A_411 : memref<1x128x128xf32, #tpu.memory_space<vmem>> -> memref<128x128xf32, #tpu.memory_space<vmem>>
        tpu.wait_dma2 semaphore(%arg15 : memref<!tpu.dma_semaphore, #tpu.memory_space<semaphore_mem>>) src(%dma_wait3A_412 : memref<128x128xf32, #tpu.memory_space<vmem>>) dst(%dma_wait3A_408 : memref<128x128xf32, #tpu.memory_space<hbm>>)
        %add3A_413 = arith.constant 1 : i32
        %add3A_414 = arith.addi %add3A_137, %add3A_413 : i32
        %mul3A_415 = arith.constant 4 : i32
        %mul3A_416 = arith.muli %add3A_414, %mul3A_415 : i32
        %add3A_417 = arith.constant 3 : i32
        %add3A_418 = arith.addi %mul3A_416, %add3A_417 : i32
        %sub3A = arith.constant 1 : i32
        %sub3A_419 = arith.subi %add3A_418, %sub3A : i32
        %dma_start3A_420 = arith.constant 2 : i32
        %dma_start3A_421 = arith.constant 0 : i32
        %dma_start3A_422 = arith.constant 0 : i32
        %dma_start3A_423 = tpu.memref_slice %arg7[%dma_start3A_420, %dma_start3A_421, %dma_start3A_422] : memref<4x128x128xf32, #tpu.memory_space<vmem>> -> memref<1x128x128xf32, #tpu.memory_space<vmem>>
        %dma_start3A_424 = tpu.memref_squeeze %dma_start3A_423 : memref<1x128x128xf32, #tpu.memory_space<vmem>> -> memref<128x128xf32, #tpu.memory_space<vmem>>
        %dma_start3A_425 = arith.constant 0 : i32
        %dma_start3A_426 = tpu.memref_slice %arg6[%sub3A_419, %dma_start3A_425] : memref<200x128xi32, #tpu.memory_space<vmem>> -> memref<1x128xi32, #tpu.memory_space<vmem>>
        %dma_start3A_427 = tpu.memref_squeeze %dma_start3A_426 : memref<1x128xi32, #tpu.memory_space<vmem>> -> memref<128xi32, #tpu.memory_space<vmem>>
        %dma_start3A_428 = arith.constant 0 : i32
        %dma_start3A_429 = arith.constant 0 : i32
        %dma_start3A_430 = tpu.memref_slice %arg3[%dma_start3A_428, %dma_start3A_429] : memref<262x128xf32, #tpu.memory_space<hbm>> -> memref<262x128xf32, #tpu.memory_space<hbm>>
        tpu.enqueue_indirect_dma source(%dma_start3A_430 : memref<262x128xf32, #tpu.memory_space<hbm>>) target(%dma_start3A_424 : memref<128x128xf32, #tpu.memory_space<vmem>>) offsets(%dma_start3A_427 : memref<128xi32, #tpu.memory_space<vmem>>) semaphore(%arg11 : memref<!tpu.dma_semaphore, #tpu.memory_space<semaphore_mem>>)
      } else {
      }
      %dma_wait3A_349 = arith.constant 1 : i32
      %dma_wait3A_350 = arith.constant 0 : i32
      %dma_wait3A_351 = arith.constant 0 : i32
      %dma_wait3A_352 = tpu.memref_slice %arg8[%dma_wait3A_349, %dma_wait3A_350, %dma_wait3A_351] : memref<2x128x64xf32, #tpu.memory_space<vmem>> -> memref<1x128x64xf32, #tpu.memory_space<vmem>>
      %dma_wait3A_353 = tpu.memref_squeeze %dma_wait3A_352 : memref<1x128x64xf32, #tpu.memory_space<vmem>> -> memref<128x64xf32, #tpu.memory_space<vmem>>
      %dma_wait3A_354 = arith.constant 0 : i32
      %dma_wait3A_355 = arith.constant 0 : i32
      %dma_wait3A_356 = tpu.memref_slice %arg5[%dma_wait3A_354, %dma_wait3A_355] : memref<819200x64xf32, #tpu.memory_space<hbm>> -> memref<128x64xf32, #tpu.memory_space<hbm>>
      %dma_wait3A_357 = arith.constant 0 : i32
      %dma_wait3A_358 = arith.constant 0 : i32
      %dma_wait3A_359 = tpu.memref_slice %arg5[%dma_wait3A_357, %dma_wait3A_358] : memref<819200x64xf32, #tpu.memory_space<hbm>> -> memref<128x64xf32, #tpu.memory_space<hbm>>
      %dma_wait3A_360 = arith.constant 0 : i32
      %dma_wait3A_361 = arith.constant 0 : i32
      %dma_wait3A_362 = tpu.memref_slice %arg8[%dma_wait3A_349, %dma_wait3A_360, %dma_wait3A_361] : memref<2x128x64xf32, #tpu.memory_space<vmem>> -> memref<1x128x64xf32, #tpu.memory_space<vmem>>
      %dma_wait3A_363 = tpu.memref_squeeze %dma_wait3A_362 : memref<1x128x64xf32, #tpu.memory_space<vmem>> -> memref<128x64xf32, #tpu.memory_space<vmem>>
      tpu.wait_dma2 semaphore(%arg18 : memref<!tpu.dma_semaphore, #tpu.memory_space<semaphore_mem>>) src(%dma_wait3A_363 : memref<128x64xf32, #tpu.memory_space<vmem>>) dst(%dma_wait3A_359 : memref<128x64xf32, #tpu.memory_space<hbm>>)
      %scan3A_364 = arith.constant 0 : i32
      %scan3A_365 = arith.constant 128 : i32
      %scan3A_366 = arith.addi %scan3A_364, %scan3A_365 : i32
      %scan3A_367 = arith.constant 1 : i32
      scf.for %scan3A_398 = %scan3A_364 to %scan3A_366 step %scan3A_367  : i32 {
        %mul3A_399 = arith.constant 1 : i32
        %mul3A_400 = arith.muli %scan3A_398, %mul3A_399 : i32
        %add3A_401 = arith.constant 0 : i32
        %add3A_402 = arith.addi %add3A_401, %mul3A_400 : i32
        %broadcast_in_dim3A = vector.broadcast %add3A_402 : i32 to vector<16xi32>
        %mul3A_403 = arith.constant 2 : i32
        %mul3A_404 = vector.broadcast %mul3A_403 : i32 to vector<16xi32>
        %mul3A_405 = arith.muli %mul3A_404, %iota3A : vector<16xi32>
        %add3A_406 = arith.constant 0 : i32
        %add3A_407 = vector.broadcast %add3A_406 : i32 to vector<16xi32>
        %add3A_408 = arith.addi %add3A_407, %mul3A_405 : vector<16xi32>
        %gather3A = arith.constant 3 : i32
        %gather3A_409 = arith.constant 0 : i32
        %gather3A_410 = arith.constant 0 : i32
        %gather3A_411 = tpu.memref_slice %arg7[%gather3A, %gather3A_409, %gather3A_410] : memref<4x128x128xf32, #tpu.memory_space<vmem>> -> memref<1x128x128xf32, #tpu.memory_space<vmem>>
        %gather3A_412 = tpu.memref_squeeze %gather3A_411 : memref<1x128x128xf32, #tpu.memory_space<vmem>> -> memref<128x128xf32, #tpu.memory_space<vmem>>
        %gather3A_413 = tpu.vector_load_idx %gather3A_412[%broadcast_in_dim3A, %add3A_408] : memref<128x128xf32, #tpu.memory_space<vmem>>[vector<16xi32>, vector<16xi32>], vector<16xf32>,
        %add3A_414 = arith.constant 1 : i32
        %add3A_415 = vector.broadcast %add3A_414 : i32 to vector<16xi32>
        %add3A_416 = arith.addi %add3A_408, %add3A_415 : vector<16xi32>
        %gather3A_417 = arith.constant 3 : i32
        %gather3A_418 = arith.constant 0 : i32
        %gather3A_419 = arith.constant 0 : i32
        %gather3A_420 = tpu.memref_slice %arg7[%gather3A_417, %gather3A_418, %gather3A_419] : memref<4x128x128xf32, #tpu.memory_space<vmem>> -> memref<1x128x128xf32, #tpu.memory_space<vmem>>
        %gather3A_421 = tpu.memref_squeeze %gather3A_420 : memref<1x128x128xf32, #tpu.memory_space<vmem>> -> memref<128x128xf32, #tpu.memory_space<vmem>>
        %gather3A_422 = tpu.vector_load_idx %gather3A_421[%broadcast_in_dim3A, %add3A_416] : memref<128x128xf32, #tpu.memory_space<vmem>>[vector<16xi32>, vector<16xi32>], vector<16xf32>,
        %max3A = arith.maximumf %gather3A_413, %gather3A_422 : vector<16xf32>
        %swap3A = arith.constant 1 : i32
        %swap3A_423 = arith.index_cast %swap3A : i32 to index
        %swap3A_424 = arith.index_cast %add3A_402 : i32 to index
        %swap3A_425 = arith.constant 0 : index
        %swap3A_426 = tpu.vector_load %arg8[%swap3A_423, %swap3A_424, %swap3A_425] {strides = array<i32>} : memref<2x128x64xf32, #tpu.memory_space<vmem>>, vector<16xf32>,
        tpu.vector_store %arg8[%swap3A_423, %swap3A_424, %swap3A_425], %max3A {strides = array<i32>} : memref<2x128x64xf32, #tpu.memory_space<vmem>>, vector<16xf32>,
        %mul3A_427 = arith.constant 2 : i32
        %mul3A_428 = vector.broadcast %mul3A_427 : i32 to vector<16xi32>
        %mul3A_429 = arith.muli %mul3A_428, %iota3A : vector<16xi32>
        %add3A_430 = arith.constant 32 : i32
        %add3A_431 = vector.broadcast %add3A_430 : i32 to vector<16xi32>
        %add3A_432 = arith.addi %add3A_431, %mul3A_429 : vector<16xi32>
        %gather3A_433 = arith.constant 3 : i32
        %gather3A_434 = arith.constant 0 : i32
        %gather3A_435 = arith.constant 0 : i32
        %gather3A_436 = tpu.memref_slice %arg7[%gather3A_433, %gather3A_434, %gather3A_435] : memref<4x128x128xf32, #tpu.memory_space<vmem>> -> memref<1x128x128xf32, #tpu.memory_space<vmem>>
        %gather3A_437 = tpu.memref_squeeze %gather3A_436 : memref<1x128x128xf32, #tpu.memory_space<vmem>> -> memref<128x128xf32, #tpu.memory_space<vmem>>
        %gather3A_438 = tpu.vector_load_idx %gather3A_437[%broadcast_in_dim3A, %add3A_432] : memref<128x128xf32, #tpu.memory_space<vmem>>[vector<16xi32>, vector<16xi32>], vector<16xf32>,
        %add3A_439 = arith.constant 1 : i32
        %add3A_440 = vector.broadcast %add3A_439 : i32 to vector<16xi32>
        %add3A_441 = arith.addi %add3A_432, %add3A_440 : vector<16xi32>
        %gather3A_442 = arith.constant 3 : i32
        %gather3A_443 = arith.constant 0 : i32
        %gather3A_444 = arith.constant 0 : i32
        %gather3A_445 = tpu.memref_slice %arg7[%gather3A_442, %gather3A_443, %gather3A_444] : memref<4x128x128xf32, #tpu.memory_space<vmem>> -> memref<1x128x128xf32, #tpu.memory_space<vmem>>
        %gather3A_446 = tpu.memref_squeeze %gather3A_445 : memref<1x128x128xf32, #tpu.memory_space<vmem>> -> memref<128x128xf32, #tpu.memory_space<vmem>>
        %gather3A_447 = tpu.vector_load_idx %gather3A_446[%broadcast_in_dim3A, %add3A_441] : memref<128x128xf32, #tpu.memory_space<vmem>>[vector<16xi32>, vector<16xi32>], vector<16xf32>,
        %max3A_448 = arith.maximumf %gather3A_438, %gather3A_447 : vector<16xf32>
        %swap3A_449 = arith.constant 1 : i32
        %swap3A_450 = arith.index_cast %swap3A_449 : i32 to index
        %swap3A_451 = arith.index_cast %add3A_402 : i32 to index
        %swap3A_452 = arith.constant 16 : index
        %swap3A_453 = tpu.vector_load %arg8[%swap3A_450, %swap3A_451, %swap3A_452] {strides = array<i32>} : memref<2x128x64xf32, #tpu.memory_space<vmem>>, vector<16xf32>,
        tpu.vector_store %arg8[%swap3A_450, %swap3A_451, %swap3A_452], %max3A_448 {strides = array<i32>} : memref<2x128x64xf32, #tpu.memory_space<vmem>>, vector<16xf32>,
        %mul3A_454 = arith.constant 2 : i32
        %mul3A_455 = vector.broadcast %mul3A_454 : i32 to vector<16xi32>
        %mul3A_456 = arith.muli %mul3A_455, %iota3A : vector<16xi32>
        %add3A_457 = arith.constant 64 : i32
        %add3A_458 = vector.broadcast %add3A_457 : i32 to vector<16xi32>
        %add3A_459 = arith.addi %add3A_458, %mul3A_456 : vector<16xi32>
        %gather3A_460 = arith.constant 3 : i32
        %gather3A_461 = arith.constant 0 : i32
        %gather3A_462 = arith.constant 0 : i32
        %gather3A_463 = tpu.memref_slice %arg7[%gather3A_460, %gather3A_461, %gather3A_462] : memref<4x128x128xf32, #tpu.memory_space<vmem>> -> memref<1x128x128xf32, #tpu.memory_space<vmem>>
        %gather3A_464 = tpu.memref_squeeze %gather3A_463 : memref<1x128x128xf32, #tpu.memory_space<vmem>> -> memref<128x128xf32, #tpu.memory_space<vmem>>
        %gather3A_465 = tpu.vector_load_idx %gather3A_464[%broadcast_in_dim3A, %add3A_459] : memref<128x128xf32, #tpu.memory_space<vmem>>[vector<16xi32>, vector<16xi32>], vector<16xf32>,
        %add3A_466 = arith.constant 1 : i32
        %add3A_467 = vector.broadcast %add3A_466 : i32 to vector<16xi32>
        %add3A_468 = arith.addi %add3A_459, %add3A_467 : vector<16xi32>
        %gather3A_469 = arith.constant 3 : i32
        %gather3A_470 = arith.constant 0 : i32
        %gather3A_471 = arith.constant 0 : i32
        %gather3A_472 = tpu.memref_slice %arg7[%gather3A_469, %gather3A_470, %gather3A_471] : memref<4x128x128xf32, #tpu.memory_space<vmem>> -> memref<1x128x128xf32, #tpu.memory_space<vmem>>
        %gather3A_473 = tpu.memref_squeeze %gather3A_472 : memref<1x128x128xf32, #tpu.memory_space<vmem>> -> memref<128x128xf32, #tpu.memory_space<vmem>>
        %gather3A_474 = tpu.vector_load_idx %gather3A_473[%broadcast_in_dim3A, %add3A_468] : memref<128x128xf32, #tpu.memory_space<vmem>>[vector<16xi32>, vector<16xi32>], vector<16xf32>,
        %max3A_475 = arith.maximumf %gather3A_465, %gather3A_474 : vector<16xf32>
        %swap3A_476 = arith.constant 1 : i32
        %swap3A_477 = arith.index_cast %swap3A_476 : i32 to index
        %swap3A_478 = arith.index_cast %add3A_402 : i32 to index
        %swap3A_479 = arith.constant 32 : index
        %swap3A_480 = tpu.vector_load %arg8[%swap3A_477, %swap3A_478, %swap3A_479] {strides = array<i32>} : memref<2x128x64xf32, #tpu.memory_space<vmem>>, vector<16xf32>,
        tpu.vector_store %arg8[%swap3A_477, %swap3A_478, %swap3A_479], %max3A_475 {strides = array<i32>} : memref<2x128x64xf32, #tpu.memory_space<vmem>>, vector<16xf32>,
        %mul3A_481 = arith.constant 2 : i32
        %mul3A_482 = vector.broadcast %mul3A_481 : i32 to vector<16xi32>
        %mul3A_483 = arith.muli %mul3A_482, %iota3A : vector<16xi32>
        %add3A_484 = arith.constant 96 : i32
        %add3A_485 = vector.broadcast %add3A_484 : i32 to vector<16xi32>
        %add3A_486 = arith.addi %add3A_485, %mul3A_483 : vector<16xi32>
        %gather3A_487 = arith.constant 3 : i32
        %gather3A_488 = arith.constant 0 : i32
        %gather3A_489 = arith.constant 0 : i32
        %gather3A_490 = tpu.memref_slice %arg7[%gather3A_487, %gather3A_488, %gather3A_489] : memref<4x128x128xf32, #tpu.memory_space<vmem>> -> memref<1x128x128xf32, #tpu.memory_space<vmem>>
        %gather3A_491 = tpu.memref_squeeze %gather3A_490 : memref<1x128x128xf32, #tpu.memory_space<vmem>> -> memref<128x128xf32, #tpu.memory_space<vmem>>
        %gather3A_492 = tpu.vector_load_idx %gather3A_491[%broadcast_in_dim3A, %add3A_486] : memref<128x128xf32, #tpu.memory_space<vmem>>[vector<16xi32>, vector<16xi32>], vector<16xf32>,
        %add3A_493 = arith.constant 1 : i32
        %add3A_494 = vector.broadcast %add3A_493 : i32 to vector<16xi32>
        %add3A_495 = arith.addi %add3A_486, %add3A_494 : vector<16xi32>
        %gather3A_496 = arith.constant 3 : i32
        %gather3A_497 = arith.constant 0 : i32
        %gather3A_498 = arith.constant 0 : i32
        %gather3A_499 = tpu.memref_slice %arg7[%gather3A_496, %gather3A_497, %gather3A_498] : memref<4x128x128xf32, #tpu.memory_space<vmem>> -> memref<1x128x128xf32, #tpu.memory_space<vmem>>
        %gather3A_500 = tpu.memref_squeeze %gather3A_499 : memref<1x128x128xf32, #tpu.memory_space<vmem>> -> memref<128x128xf32, #tpu.memory_space<vmem>>
        %gather3A_501 = tpu.vector_load_idx %gather3A_500[%broadcast_in_dim3A, %add3A_495] : memref<128x128xf32, #tpu.memory_space<vmem>>[vector<16xi32>, vector<16xi32>], vector<16xf32>,
        %max3A_502 = arith.maximumf %gather3A_492, %gather3A_501 : vector<16xf32>
        %swap3A_503 = arith.constant 1 : i32
        %swap3A_504 = arith.index_cast %swap3A_503 : i32 to index
        %swap3A_505 = arith.index_cast %add3A_402 : i32 to index
        %swap3A_506 = arith.constant 48 : index
        %swap3A_507 = tpu.vector_load %arg8[%swap3A_504, %swap3A_505, %swap3A_506] {strides = array<i32>} : memref<2x128x64xf32, #tpu.memory_space<vmem>>, vector<16xf32>,
        tpu.vector_store %arg8[%swap3A_504, %swap3A_505, %swap3A_506], %max3A_502 {strides = array<i32>} : memref<2x128x64xf32, #tpu.memory_space<vmem>>, vector<16xf32>,
      }
      %scan3A_368 = arith.constant 128 : i32
      %mul3A_369 = arith.constant 128 : i32
      %mul3A_370 = arith.muli %add3A_331, %mul3A_369 : i32
      %add3A_371 = arith.addi %mul3A_2, %mul3A_370 : i32
      %dma_start3A_372 = arith.constant 3 : i32
      %dma_start3A_373 = arith.constant 0 : i32
      %dma_start3A_374 = arith.constant 0 : i32
      %dma_start3A_375 = tpu.memref_slice %arg7[%dma_start3A_372, %dma_start3A_373, %dma_start3A_374] : memref<4x128x128xf32, #tpu.memory_space<vmem>> -> memref<1x128x128xf32, #tpu.memory_space<vmem>>
      %dma_start3A_376 = tpu.memref_squeeze %dma_start3A_375 : memref<1x128x128xf32, #tpu.memory_space<vmem>> -> memref<128x128xf32, #tpu.memory_space<vmem>>
      %dma_start3A_377 = arith.constant 0 : i32
      %dma_start3A_378 = tpu.memref_slice %arg4[%add3A_371, %dma_start3A_377] : memref<819200x128xf32, #tpu.memory_space<hbm>> -> memref<128x128xf32, #tpu.memory_space<hbm>>
      %dma_start3A_379 = arith.constant 0 : i32
      %dma_start3A_380 = tpu.memref_slice %arg4[%add3A_371, %dma_start3A_379] : memref<819200x128xf32, #tpu.memory_space<hbm>> -> memref<128x128xf32, #tpu.memory_space<hbm>>
      %dma_start3A_381 = arith.constant 0 : i32
      %dma_start3A_382 = arith.constant 0 : i32
      %dma_start3A_383 = tpu.memref_slice %arg7[%dma_start3A_372, %dma_start3A_381, %dma_start3A_382] : memref<4x128x128xf32, #tpu.memory_space<vmem>> -> memref<1x128x128xf32, #tpu.memory_space<vmem>>
      %dma_start3A_384 = tpu.memref_squeeze %dma_start3A_383 : memref<1x128x128xf32, #tpu.memory_space<vmem>> -> memref<128x128xf32, #tpu.memory_space<vmem>>
      tpu.enqueue_dma source(%dma_start3A_384 : memref<128x128xf32, #tpu.memory_space<vmem>>) target(%dma_start3A_380 : memref<128x128xf32, #tpu.memory_space<hbm>>) target_semaphore(%arg16 : memref<!tpu.dma_semaphore, #tpu.memory_space<semaphore_mem>>)
      %dma_start3A_385 = arith.constant 1 : i32
      %dma_start3A_386 = arith.constant 0 : i32
      %dma_start3A_387 = arith.constant 0 : i32
      %dma_start3A_388 = tpu.memref_slice %arg8[%dma_start3A_385, %dma_start3A_386, %dma_start3A_387] : memref<2x128x64xf32, #tpu.memory_space<vmem>> -> memref<1x128x64xf32, #tpu.memory_space<vmem>>
      %dma_start3A_389 = tpu.memref_squeeze %dma_start3A_388 : memref<1x128x64xf32, #tpu.memory_space<vmem>> -> memref<128x64xf32, #tpu.memory_space<vmem>>
      %dma_start3A_390 = arith.constant 0 : i32
      %dma_start3A_391 = tpu.memref_slice %arg5[%add3A_371, %dma_start3A_390] : memref<819200x64xf32, #tpu.memory_space<hbm>> -> memref<128x64xf32, #tpu.memory_space<hbm>>
      %dma_start3A_392 = arith.constant 0 : i32
      %dma_start3A_393 = tpu.memref_slice %arg5[%add3A_371, %dma_start3A_392] : memref<819200x64xf32, #tpu.memory_space<hbm>> -> memref<128x64xf32, #tpu.memory_space<hbm>>
      %dma_start3A_394 = arith.constant 0 : i32
      %dma_start3A_395 = arith.constant 0 : i32
      %dma_start3A_396 = tpu.memref_slice %arg8[%dma_start3A_385, %dma_start3A_394, %dma_start3A_395] : memref<2x128x64xf32, #tpu.memory_space<vmem>> -> memref<1x128x64xf32, #tpu.memory_space<vmem>>
      %dma_start3A_397 = tpu.memref_squeeze %dma_start3A_396 : memref<1x128x64xf32, #tpu.memory_space<vmem>> -> memref<128x64xf32, #tpu.memory_space<vmem>>
      tpu.enqueue_dma source(%dma_start3A_397 : memref<128x64xf32, #tpu.memory_space<vmem>>) target(%dma_start3A_393 : memref<128x64xf32, #tpu.memory_space<hbm>>) target_semaphore(%arg18 : memref<!tpu.dma_semaphore, #tpu.memory_space<semaphore_mem>>)
    }
    %scan3A_43 = arith.constant 50 : i32
    %dma_wait3A = arith.constant 0 : i32
    %dma_wait3A_44 = arith.constant 0 : i32
    %dma_wait3A_45 = arith.constant 0 : i32
    %dma_wait3A_46 = tpu.memref_slice %arg7[%dma_wait3A, %dma_wait3A_44, %dma_wait3A_45] : memref<4x128x128xf32, #tpu.memory_space<vmem>> -> memref<1x128x128xf32, #tpu.memory_space<vmem>>
    %dma_wait3A_47 = tpu.memref_squeeze %dma_wait3A_46 : memref<1x128x128xf32, #tpu.memory_space<vmem>> -> memref<128x128xf32, #tpu.memory_space<vmem>>
    %dma_wait3A_48 = arith.constant 0 : i32
    %dma_wait3A_49 = arith.constant 0 : i32
    %dma_wait3A_50 = tpu.memref_slice %arg4[%dma_wait3A_48, %dma_wait3A_49] : memref<819200x128xf32, #tpu.memory_space<hbm>> -> memref<128x128xf32, #tpu.memory_space<hbm>>
    %dma_wait3A_51 = arith.constant 0 : i32
    %dma_wait3A_52 = arith.constant 0 : i32
    %dma_wait3A_53 = tpu.memref_slice %arg4[%dma_wait3A_51, %dma_wait3A_52] : memref<819200x128xf32, #tpu.memory_space<hbm>> -> memref<128x128xf32, #tpu.memory_space<hbm>>
    %dma_wait3A_54 = arith.constant 0 : i32
    %dma_wait3A_55 = arith.constant 0 : i32
    %dma_wait3A_56 = tpu.memref_slice %arg7[%dma_wait3A, %dma_wait3A_54, %dma_wait3A_55] : memref<4x128x128xf32, #tpu.memory_space<vmem>> -> memref<1x128x128xf32, #tpu.memory_space<vmem>>
    %dma_wait3A_57 = tpu.memref_squeeze %dma_wait3A_56 : memref<1x128x128xf32, #tpu.memory_space<vmem>> -> memref<128x128xf32, #tpu.memory_space<vmem>>
    tpu.wait_dma2 semaphore(%arg13 : memref<!tpu.dma_semaphore, #tpu.memory_space<semaphore_mem>>) src(%dma_wait3A_57 : memref<128x128xf32, #tpu.memory_space<vmem>>) dst(%dma_wait3A_53 : memref<128x128xf32, #tpu.memory_space<hbm>>)
    %dma_wait3A_58 = arith.constant 1 : i32
    %dma_wait3A_59 = arith.constant 0 : i32
    %dma_wait3A_60 = arith.constant 0 : i32
    %dma_wait3A_61 = tpu.memref_slice %arg7[%dma_wait3A_58, %dma_wait3A_59, %dma_wait3A_60] : memref<4x128x128xf32, #tpu.memory_space<vmem>> -> memref<1x128x128xf32, #tpu.memory_space<vmem>>
    %dma_wait3A_62 = tpu.memref_squeeze %dma_wait3A_61 : memref<1x128x128xf32, #tpu.memory_space<vmem>> -> memref<128x128xf32, #tpu.memory_space<vmem>>
    %dma_wait3A_63 = arith.constant 0 : i32
    %dma_wait3A_64 = arith.constant 0 : i32
    %dma_wait3A_65 = tpu.memref_slice %arg4[%dma_wait3A_63, %dma_wait3A_64] : memref<819200x128xf32, #tpu.memory_space<hbm>> -> memref<128x128xf32, #tpu.memory_space<hbm>>
    %dma_wait3A_66 = arith.constant 0 : i32
    %dma_wait3A_67 = arith.constant 0 : i32
    %dma_wait3A_68 = tpu.memref_slice %arg4[%dma_wait3A_66, %dma_wait3A_67] : memref<819200x128xf32, #tpu.memory_space<hbm>> -> memref<128x128xf32, #tpu.memory_space<hbm>>
    %dma_wait3A_69 = arith.constant 0 : i32
    %dma_wait3A_70 = arith.constant 0 : i32
    %dma_wait3A_71 = tpu.memref_slice %arg7[%dma_wait3A_58, %dma_wait3A_69, %dma_wait3A_70] : memref<4x128x128xf32, #tpu.memory_space<vmem>> -> memref<1x128x128xf32, #tpu.memory_space<vmem>>
    %dma_wait3A_72 = tpu.memref_squeeze %dma_wait3A_71 : memref<1x128x128xf32, #tpu.memory_space<vmem>> -> memref<128x128xf32, #tpu.memory_space<vmem>>
    tpu.wait_dma2 semaphore(%arg14 : memref<!tpu.dma_semaphore, #tpu.memory_space<semaphore_mem>>) src(%dma_wait3A_72 : memref<128x128xf32, #tpu.memory_space<vmem>>) dst(%dma_wait3A_68 : memref<128x128xf32, #tpu.memory_space<hbm>>)
    %dma_wait3A_73 = arith.constant 2 : i32
    %dma_wait3A_74 = arith.constant 0 : i32
    %dma_wait3A_75 = arith.constant 0 : i32
    %dma_wait3A_76 = tpu.memref_slice %arg7[%dma_wait3A_73, %dma_wait3A_74, %dma_wait3A_75] : memref<4x128x128xf32, #tpu.memory_space<vmem>> -> memref<1x128x128xf32, #tpu.memory_space<vmem>>
    %dma_wait3A_77 = tpu.memref_squeeze %dma_wait3A_76 : memref<1x128x128xf32, #tpu.memory_space<vmem>> -> memref<128x128xf32, #tpu.memory_space<vmem>>
    %dma_wait3A_78 = arith.constant 0 : i32
    %dma_wait3A_79 = arith.constant 0 : i32
    %dma_wait3A_80 = tpu.memref_slice %arg4[%dma_wait3A_78, %dma_wait3A_79] : memref<819200x128xf32, #tpu.memory_space<hbm>> -> memref<128x128xf32, #tpu.memory_space<hbm>>
    %dma_wait3A_81 = arith.constant 0 : i32
    %dma_wait3A_82 = arith.constant 0 : i32
    %dma_wait3A_83 = tpu.memref_slice %arg4[%dma_wait3A_81, %dma_wait3A_82] : memref<819200x128xf32, #tpu.memory_space<hbm>> -> memref<128x128xf32, #tpu.memory_space<hbm>>
    %dma_wait3A_84 = arith.constant 0 : i32
    %dma_wait3A_85 = arith.constant 0 : i32
    %dma_wait3A_86 = tpu.memref_slice %arg7[%dma_wait3A_73, %dma_wait3A_84, %dma_wait3A_85] : memref<4x128x128xf32, #tpu.memory_space<vmem>> -> memref<1x128x128xf32, #tpu.memory_space<vmem>>
    %dma_wait3A_87 = tpu.memref_squeeze %dma_wait3A_86 : memref<1x128x128xf32, #tpu.memory_space<vmem>> -> memref<128x128xf32, #tpu.memory_space<vmem>>
    tpu.wait_dma2 semaphore(%arg15 : memref<!tpu.dma_semaphore, #tpu.memory_space<semaphore_mem>>) src(%dma_wait3A_87 : memref<128x128xf32, #tpu.memory_space<vmem>>) dst(%dma_wait3A_83 : memref<128x128xf32, #tpu.memory_space<hbm>>)
    %dma_wait3A_88 = arith.constant 3 : i32
    %dma_wait3A_89 = arith.constant 0 : i32
    %dma_wait3A_90 = arith.constant 0 : i32
    %dma_wait3A_91 = tpu.memref_slice %arg7[%dma_wait3A_88, %dma_wait3A_89, %dma_wait3A_90] : memref<4x128x128xf32, #tpu.memory_space<vmem>> -> memref<1x128x128xf32, #tpu.memory_space<vmem>>
    %dma_wait3A_92 = tpu.memref_squeeze %dma_wait3A_91 : memref<1x128x128xf32, #tpu.memory_space<vmem>> -> memref<128x128xf32, #tpu.memory_space<vmem>>
    %dma_wait3A_93 = arith.constant 0 : i32
    %dma_wait3A_94 = arith.constant 0 : i32
    %dma_wait3A_95 = tpu.memref_slice %arg4[%dma_wait3A_93, %dma_wait3A_94] : memref<819200x128xf32, #tpu.memory_space<hbm>> -> memref<128x128xf32, #tpu.memory_space<hbm>>
    %dma_wait3A_96 = arith.constant 0 : i32
    %dma_wait3A_97 = arith.constant 0 : i32
    %dma_wait3A_98 = tpu.memref_slice %arg4[%dma_wait3A_96, %dma_wait3A_97] : memref<819200x128xf32, #tpu.memory_space<hbm>> -> memref<128x128xf32, #tpu.memory_space<hbm>>
    %dma_wait3A_99 = arith.constant 0 : i32
    %dma_wait3A_100 = arith.constant 0 : i32
    %dma_wait3A_101 = tpu.memref_slice %arg7[%dma_wait3A_88, %dma_wait3A_99, %dma_wait3A_100] : memref<4x128x128xf32, #tpu.memory_space<vmem>> -> memref<1x128x128xf32, #tpu.memory_space<vmem>>
    %dma_wait3A_102 = tpu.memref_squeeze %dma_wait3A_101 : memref<1x128x128xf32, #tpu.memory_space<vmem>> -> memref<128x128xf32, #tpu.memory_space<vmem>>
    tpu.wait_dma2 semaphore(%arg16 : memref<!tpu.dma_semaphore, #tpu.memory_space<semaphore_mem>>) src(%dma_wait3A_102 : memref<128x128xf32, #tpu.memory_space<vmem>>) dst(%dma_wait3A_98 : memref<128x128xf32, #tpu.memory_space<hbm>>)
    %dma_wait3A_103 = arith.constant 0 : i32
    %dma_wait3A_104 = arith.constant 0 : i32
    %dma_wait3A_105 = arith.constant 0 : i32
    %dma_wait3A_106 = tpu.memref_slice %arg8[%dma_wait3A_103, %dma_wait3A_104, %dma_wait3A_105] : memref<2x128x64xf32, #tpu.memory_space<vmem>> -> memref<1x128x64xf32, #tpu.memory_space<vmem>>
    %dma_wait3A_107 = tpu.memref_squeeze %dma_wait3A_106 : memref<1x128x64xf32, #tpu.memory_space<vmem>> -> memref<128x64xf32, #tpu.memory_space<vmem>>
    %dma_wait3A_108 = arith.constant 0 : i32
    %dma_wait3A_109 = arith.constant 0 : i32
    %dma_wait3A_110 = tpu.memref_slice %arg5[%dma_wait3A_108, %dma_wait3A_109] : memref<819200x64xf32, #tpu.memory_space<hbm>> -> memref<128x64xf32, #tpu.memory_space<hbm>>
    %dma_wait3A_111 = arith.constant 0 : i32
    %dma_wait3A_112 = arith.constant 0 : i32
    %dma_wait3A_113 = tpu.memref_slice %arg5[%dma_wait3A_111, %dma_wait3A_112] : memref<819200x64xf32, #tpu.memory_space<hbm>> -> memref<128x64xf32, #tpu.memory_space<hbm>>
    %dma_wait3A_114 = arith.constant 0 : i32
    %dma_wait3A_115 = arith.constant 0 : i32
    %dma_wait3A_116 = tpu.memref_slice %arg8[%dma_wait3A_103, %dma_wait3A_114, %dma_wait3A_115] : memref<2x128x64xf32, #tpu.memory_space<vmem>> -> memref<1x128x64xf32, #tpu.memory_space<vmem>>
    %dma_wait3A_117 = tpu.memref_squeeze %dma_wait3A_116 : memref<1x128x64xf32, #tpu.memory_space<vmem>> -> memref<128x64xf32, #tpu.memory_space<vmem>>
    tpu.wait_dma2 semaphore(%arg17 : memref<!tpu.dma_semaphore, #tpu.memory_space<semaphore_mem>>) src(%dma_wait3A_117 : memref<128x64xf32, #tpu.memory_space<vmem>>) dst(%dma_wait3A_113 : memref<128x64xf32, #tpu.memory_space<hbm>>)
    %dma_wait3A_118 = arith.constant 1 : i32
    %dma_wait3A_119 = arith.constant 0 : i32
    %dma_wait3A_120 = arith.constant 0 : i32
    %dma_wait3A_121 = tpu.memref_slice %arg8[%dma_wait3A_118, %dma_wait3A_119, %dma_wait3A_120] : memref<2x128x64xf32, #tpu.memory_space<vmem>> -> memref<1x128x64xf32, #tpu.memory_space<vmem>>
    %dma_wait3A_122 = tpu.memref_squeeze %dma_wait3A_121 : memref<1x128x64xf32, #tpu.memory_space<vmem>> -> memref<128x64xf32, #tpu.memory_space<vmem>>
    %dma_wait3A_123 = arith.constant 0 : i32
    %dma_wait3A_124 = arith.constant 0 : i32
    %dma_wait3A_125 = tpu.memref_slice %arg5[%dma_wait3A_123, %dma_wait3A_124] : memref<819200x64xf32, #tpu.memory_space<hbm>> -> memref<128x64xf32, #tpu.memory_space<hbm>>
    %dma_wait3A_126 = arith.constant 0 : i32
    %dma_wait3A_127 = arith.constant 0 : i32
    %dma_wait3A_128 = tpu.memref_slice %arg5[%dma_wait3A_126, %dma_wait3A_127] : memref<819200x64xf32, #tpu.memory_space<hbm>> -> memref<128x64xf32, #tpu.memory_space<hbm>>
    %dma_wait3A_129 = arith.constant 0 : i32
    %dma_wait3A_130 = arith.constant 0 : i32
    %dma_wait3A_131 = tpu.memref_slice %arg8[%dma_wait3A_118, %dma_wait3A_129, %dma_wait3A_130] : memref<2x128x64xf32, #tpu.memory_space<vmem>> -> memref<1x128x64xf32, #tpu.memory_space<vmem>>
    %dma_wait3A_132 = tpu.memref_squeeze %dma_wait3A_131 : memref<1x128x64xf32, #tpu.memory_space<vmem>> -> memref<128x64xf32, #tpu.memory_space<vmem>>
    tpu.wait_dma2 semaphore(%arg18 : memref<!tpu.dma_semaphore, #tpu.memory_space<semaphore_mem>>) src(%dma_wait3A_132 : memref<128x64xf32, #tpu.memory_space<vmem>>) dst(%dma_wait3A_128 : memref<128x64xf32, #tpu.memory_space<hbm>>)
    return
  }
}

</mosaic_0001>

<sc_bundles>
// kernel: kernel.3.cloned.1.call-start
scs
__scs_entry_jumppad:
0x0: {  	(pc) =	sbr.rel $0x88, $3  }
0x1: {  	(tag) =	ssettag $0x0;
	lr =	simm.s32 $0x1  }
0x2: {  	[smem:$0x3F9F] =	sst lr;
	_ =	strace $0xD0000000  }
0x3: {  	_ = 	snop  }
0x4: {  	_ = 	snop  }
0x5: {  	_ = 	snop  }
0x6: {  	_ = 	snop  }
0x7: {  	_ = 	snop  }
__scs_overlays_trampoline_lowered:
0x8: {  	[smem:$0x3FAE] =	sst s0  }
0x9: {  	[smem:$0x3FAF] =	sst s1  }
0xa: {  	[smem:$0x3FB0] =	sst s2  }
0xb: {  	[smem:$0x3FB1] =	sst s3  }
0xc: {  	[smem:$0x3FB2] =	sst s4  }
0xd: {  	[smem:$0x3FB3] =	sst s5  }
0xe: {  	[smem:$0x3FB4] =	sst s6  }
0xf: {  	[smem:$0x3FB5] =	sst s7  }
0x10: {  	[smem:$0x3FB6] =	sst s8  }
0x11: {  	[smem:$0x3FB7] =	sst s9;
	s0 =	simm.s32 @!p0 $0x0  }
0x12: {  	s1 =	sld [smem:$0x3F9D];
	s0 =	simm.s32 @p0 $0x1  }
0x13: {  	[smem:$0x3FB8] =	sst s0;
	s0 =	simm.s32 @!p1 $0x0  }
0x14: {  	s2 =	sld [smem:$0x3F9C];
	s0 =	simm.s32 @p1 $0x1  }
0x15: {  	[smem:$0x3FB9] =	sst s0;
	s0 =	simm.s32 @!p2 $0x0  }
0x16: {  	s3 =	sld [smem:$0x3FDB];
	s0 =	simm.s32 @p2 $0x1  }
0x17: {  	s4 =	simm.s32 $0x1BF5;
	[smem:$0x3FBB] =	sst s0  }
0x18: {  	s0 =	sld [smem:$0x3F9E];
	_ =	swait.ge [sflag:s4], $0x0  }
0x19: {  	s7 =	sld [smem:$0x3F9F]  }
0x1a: {  	s8 =	sadd.s32 $0xFFFFE003, lr  }
0x1b: {  	s9 =	sadd.s32 $0xFFFFFEF7, lr;
	s5 =	simm.s32 $0xFFFFFFFF;
	p2 =	slt.u32 s8, $0xFFFFF086  }
0x1c: {  	p1 =	slt.u32 s9, $0xF7A;
	s5 =	simm.s32 @!p2 $0x0  }
0x1d: {  	s5 =	simm.s32 @p1 $0x1;
	p0 =	seq.s32 s7, s2  }
0x1e: {  	s7 =	smul.u32 @!p0 $0xF7A, s2;
	p2 =	seq.s32 @!p0 s5, $0x0  }
0x1f: {  	s9 =	smul.u32 $0xF7A, s1;
	s8 =	simm.s32 @!p0 $0x1BF5;
	p2 =	por !p2, p0  }
0x20: {  	[sflag:s8] =	ssyncset.s32 @!p0 $0xFFFFF086;
	s6 =	sadd.s32 @!p0 s3, s7;
	s7 =	simm.s32 @!p0 $0x108  }
0x21: {  	s3 =	sadd.s32 s3, s9;
	s6 =	sadd.s32 @!p0 $0x88, s6;
	s7 =	simm.s32 @p2 $0x1082  }
0x22: {  	[simem:s7], [sflag:s8] =	dma.local @!p0 [hbm:s6], $0xF7A  }
0x23: {  	s9 =	sor.u32 $0xD0000000, s2;
	s6 =	simm.s32 $0x108;
	_ =	swait.ge @!p0 [sflag:s8], $0x0  }
0x24: {  	s3 =	sadd.s32 $0x88, s3;
	s6 =	simm.s32 @!p1 $0x1082;
	[sflag:s4] =	ssyncset.s32 $0xFFFFF086  }
0x25: {  	[simem:s6], [sflag:s4] =	dma.local [hbm:s3], $0xF7A  }
0x26: {  	[smem:$0x3F9F] =	sst s1;
	(tag) =	ssettag s2;
	_ =	strace s9  }
0x27: {  	s1 =	sld [smem:$0x3FAF]  }
0x28: {  	s2 =	sld [smem:$0x3FB0]  }
0x29: {  	s4 =	sld [smem:$0x3FB2]  }
0x2a: {  	p0 =	seq.s32 s5, $0x0;
	s5 =	sld [smem:$0x3FB3]  }
0x2b: {  	s6 =	sld [smem:$0x3FB4]  }
0x2c: {  	s7 =	sld [smem:$0x3FB5]  }
0x2d: {  	s3 =	simm.s32 $0x108;
	s8 =	sld [smem:$0x3FB6]  }
0x2e: {  	s3 =	simm.s32 @!p0 $0x1082;
	s9 =	sld [smem:$0x3FB7]  }
0x2f: {  	lr =	sadd.s32 s0, s3;
	s0 =	sld [smem:$0x3FAE]  }
0x30: {  	s3 =	sld [smem:$0x3FB1]  }
0x31: {  	[smem:$0x3FBA] =	sst s10  }
0x32: {  	s10 =	sld [smem:$0x3FB8];
	_ =	sdelay $0x3  }
0x33: {  	p0 =	seq.s32 s10, $0x1;
	s10 =	sld [smem:$0x3FBA];
	_ =	sdelay $0x3  }
0x34: {  	[smem:$0x3FBA] =	sst s10  }
0x35: {  	s10 =	sld [smem:$0x3FB9];
	_ =	sdelay $0x3  }
0x36: {  	p1 =	seq.s32 s10, $0x1;
	s10 =	sld [smem:$0x3FBA];
	_ =	sdelay $0x3  }
0x37: {  	[smem:$0x3FBA] =	sst s10  }
0x38: {  	s10 =	sld [smem:$0x3FBB]  }
0x39: {  	_ = 	snop;
	(pc) =	sbr.ind lr, $3  }
0x3a: {  	_ = 	snop  }
0x3b: {  	_ = 	snop  }
0x3c: {  	p2 =	seq.s32 s10, $0x1;
	s10 =	sld [smem:$0x3FBA]  }
0x3d: {  	_ =	shalt  }
0x3e: {  	_ =	shalt  }
0x3f: {  	_ =	shalt  }
0x40: {  	_ =	shalt  }
0x41: {  	_ =	shalt  }
0x42: {  	_ =	shalt  }
0x43: {  	_ =	shalt  }
0x44: {  	_ =	shalt  }
0x45: {  	_ =	shalt  }
0x46: {  	_ =	shalt  }
0x47: {  	_ =	shalt  }
0x48: {  	_ =	shalt  }
0x49: {  	_ =	shalt  }
0x4a: {  	_ =	shalt  }
0x4b: {  	_ =	shalt  }
0x4c: {  	_ =	shalt  }
0x4d: {  	_ =	shalt  }
0x4e: {  	_ =	shalt  }
0x4f: {  	_ =	shalt  }
0x50: {  	_ =	shalt  }
0x51: {  	_ =	shalt  }
0x52: {  	_ =	shalt  }
0x53: {  	_ =	shalt  }
0x54: {  	_ =	shalt  }
0x55: {  	_ =	shalt  }
0x56: {  	_ =	shalt  }
0x57: {  	_ =	shalt  }
0x58: {  	_ =	shalt  }
0x59: {  	_ =	shalt  }
0x5a: {  	_ =	shalt  }
0x5b: {  	_ =	shalt  }
0x5c: {  	_ =	shalt  }
0x5d: {  	_ =	shalt  }
0x5e: {  	_ =	shalt  }
0x5f: {  	_ =	shalt  }
0x60: {  	_ =	shalt  }
0x61: {  	_ =	shalt  }
0x62: {  	_ =	shalt  }
0x63: {  	_ =	shalt  }
0x64: {  	_ =	shalt  }
0x65: {  	_ =	shalt  }
0x66: {  	_ =	shalt  }
0x67: {  	_ =	shalt  }
0x68: {  	_ =	shalt  }
0x69: {  	_ =	shalt  }
0x6a: {  	_ =	shalt  }
0x6b: {  	_ =	shalt  }
0x6c: {  	_ =	shalt  }
0x6d: {  	_ =	shalt  }
0x6e: {  	_ =	shalt  }
0x6f: {  	_ =	shalt  }
0x70: {  	_ =	shalt  }
0x71: {  	_ =	shalt  }
0x72: {  	_ =	shalt  }
0x73: {  	_ =	shalt  }
0x74: {  	_ =	shalt  }
0x75: {  	_ =	shalt  }
0x76: {  	_ =	shalt  }
0x77: {  	_ =	shalt  }
0x78: {  	_ =	shalt  }
0x79: {  	_ =	shalt  }
0x7a: {  	_ =	shalt  }
0x7b: {  	_ =	shalt  }
0x7c: {  	_ =	shalt  }
0x7d: {  	_ =	shalt  }
0x7e: {  	_ =	shalt  }
0x7f: {  	_ =	shalt  }
0x80: {  	_ =	shalt  }
0x81: {  	_ =	shalt  }
0x82: {  	_ =	shalt  }
0x83: {  	_ =	shalt  }
0x84: {  	_ =	shalt  }
0x85: {  	_ =	shalt  }
0x86: {  	_ =	shalt  }
0x87: {  	_ =	shalt  }
.Lfunc_end0:
.L_simem_size_0:
called_computation.1_lowered:
.L_overlay_start_0:
0x88: {  	s2 =	sld [smem:$0x3FD9]  }
0x89: {  	s3 =	sld [smem:$0x3FFE];
	_ =	sdelay $0x1  }
0x8a: {  	s1 =	srdreg.scid  }
0x8b: {  	s0 =	sand.u32 $0x1, s1  }
0x8c: {  	s14 =	sshll.u32 s0, $0xA;
	s2 =	sadd.s32 s3, s2  }
0x8d: {  	s2 =	sadd.s32 s2, s14  }
0x8e: {  	[smem:$0x3FC6] =	sst s2  }
0x8f: {  	_ = 	snop  }
0x90: {  	s2 =	sld [smem:$0x3FD0];
	_ =	sdelay $0x2  }
0x91: {  	s4 =	simm.s32 $0xA;
	s5 =	simm.s32 $0x10;
	s15 =	sld [smem:$0x3FC8]  }
0x92: {  	[smem:s5], [sflag:s4] =	dma.local [hbm:s2], $0x1  }
0x93: {  	_ =	swait.eq [sflag:s4], $0x1  }
0x94: {  	[sflag:s4] =	ssyncset.done $0x0  }
0x95: {  	s16 =	sld [smem:$0x10];
	[sflag:s4] =	ssyncadd.s32 $0xFFFFFFFF  }
0x96: {  	s17 =	sld [smem:$0x11];
	(tm) =	ssettm $0x1  }
0x97: {  	s18 =	sld [smem:$0x3FFB];
	_ =	sdelay $0x3  }
0x98: {  	_ =	strace s18  }
0x99: {  	s5 =	sld [smem:$0x3FFC];
	_ =	sdelay $0x3  }
0x9a: {  	_ =	strace s5  }
0x9b: {  	s5 =	sld [smem:$0x3FFD];
	_ =	sdelay $0x3  }
0x9c: {  	_ =	strace s5  }
0x9d: {  	_ =	strace $0x8FFFFFFF  }
0x9e: {  	s19 =	sld [smem:$0x3FDB];
	_ =	sdelay $0x1  }
0x9f: {  	s6 =	simm.s32 $_scs_section_size  }
0xa0: {  	s7 =	simm.s32 $_size__tile_overlayer_lowered;
	s8 =	simm.s32 $_tile_overlayer_lowered  }
0xa1: {  	s22 =	simm.s32 $0x1BFF;
	s21 =	sshll.u32 s8, $0x1;
	s5 =	sadd.s32 s6, s19  }
0xa2: {  	s9 =	simm.s32 $0x0;
	s20 =	sshll.u32 s7, $0x1;
	s7 =	sadd.s32 s21, s5  }
0xa3: {  	[timem:s9], [sflag:s22] =	dma.local [hbm:s7], s20  }
0xa4: {  	_ =	swait.ge [sflag:s22], s20  }
0xa5: {  	s6 =	ssub.s32 $0x0, s20;
	[sflag:s22] =	ssyncset.done $0x0  }
0xa6: {  	[sflag:s22] =	ssyncadd.s32 s6;
	_ =	sdelay $0x1  }
0xa7: {  	s23 =	simm.s32 $0x1B8B  }
0xa8: {  	_ =	swait.ge [sflag:s23], $0x1  }
0xa9: {  	[sflag:s23] =	ssyncset.done $0x0  }
0xaa: {  	s25 =	simm.s32 $0x1B8E;
	s24 =	sld [smem:$0x3FFE];
	[sflag:s23] =	ssyncadd.s32 $0xFFFFFFFF  }
0xab: {  	s26 =	simm.s32 $execute0_lowered;
	[smem:$0x3FD2] =	sst s25  }
0xac: {  	s7 =	sshll.u32 s26, $0x1;
	_ =	strace $0x80000046;
	[dreg:$0x1] =	wrdreg $0xFFFFFFFF  }
0xad: {  	s28 =	simm.s32 $_size_execute0_lowered;
	s5 =	sadd.s32 s5, s7;
	[dreg:$0x0] =	wrdreg $0x0  }
0xae: {  	s7 =	sshll.u32 s28, $0x1;
	[dreg:$0x2] =	wrdreg s5  }
0xaf: {  	[dreg:$0x3] =	wrdreg s7  }
0xb0: {  	[dreg:$0x4] =	wrdreg $0xC0  }
0xb1: {  	_ =	task [dreg:s9], $0x5FFFF  }
0xb2: {  	[dreg:$0x1] =	wrdreg $0xFFFFFFFF  }
0xb3: {  	[dreg:$0x0] =	wrdreg $0x60  }
0xb4: {  	[dreg:$0x2] =	wrdreg s17  }
0xb5: {  	[dreg:$0x3] =	wrdreg s15  }
0xb6: {  	[dreg:$0x4] =	wrdreg s16  }
0xb7: {  	[dreg:$0x5] =	wrdreg s24  }
0xb8: {  	[dreg:$0x6] =	wrdreg $0x9  }
0xb9: {  	_ =	task.clear_ibuf [dreg:s9], $0x7FFFF;
	_ =	strace $0x90000046  }
0xba: {  	s29 =	simm.s32 $0x9;
	_ =	strace $0x80000048  }
0xbb: {  	_ =	swait.ge [sflag:s29], $0x1  }
0xbc: {  	[sflag:s29] =	ssyncadd.s32 $0xFFFFFFFF  }
0xbd: {  	_ =	strace $0x90000048  }
0xbe: {  	_ =	sfence  }
0xbf: {  	s30 =	sld [smem:$0x0];
	_ =	sdelay $0x2  }
0xc0: {  	s31 =	sshll.u32 s1, $0xD;
	s1 =	sshrl.u32 s1, $0x2  }
0xc1: {  	s3 =	sand.u32 $0x4000, s31;
	s1 =	sadd.s32 s1, s30  }
0xc2: {  	s0 =	sor.u32 s3, s0;
	s1 =	sshll.u32 s1, $0x11  }
0xc3: {  	s0 =	sor.u32 s1, s0  }
0xc4: {  	s0 =	sadd.s32 $0x8F2B, s0  }
0xc5: {  	[sflag:s0] =	ssyncadd.remote.s32 $0x1  }
0xc6: {  	_ =	sfence.sel $0xFFFF  }
0xc7: {  	[dreg:$0x0] =	wrdreg $0xFFFFFFFF;
	(pc) =	sbr.abs _section_cstart, $3  }
0xc8: {  	[dreg:$0x1] =	wrdreg $0xFFFFFFFF  }
0xc9: {  	_ =	task.clear_ibuf [dreg:s9], $0x2FFFF;
	_ =	strace $0x9FFFFFFF  }
0xca: {  	(tm) =	ssettm $0x7FFFFFFF  }
0xcb: {  	_ =	shalt  }
tec
execute0_lowered:
.L_overlay_start_1:
0x0: {  	(tag) =	ssettag $0x1  }
0x1: {  	s0 =	rddreg [dreg:$0x0]  }
0x2: {  	s1 =	rddreg [dreg:$0x1]  }
0x3: {  	s3 =	rddreg [dreg:$0x2]  }
0x4: {  	s2 =	rddreg [dreg:$0x3];
	s5 =	srdreg.scid  }
0x5: {  	s6 =	stileid.u32;
	s4 =	simm.s32 $0x0;
	s14 =	simm.s32 $0x6400  }
0x6: {  	s15 =	simm.s32 $0xA400;
	s17 =	simm.s32 $0xE400;
	s18 =	simm.s32 $0x1  }
0x7: {  	s19 =	simm.s32 $0x16400;
	s20 =	simm.s32 $0x2;
	s21 =	simm.s32 $0x1A400  }
0x8: {  	s22 =	simm.s32 $0x3;
	s23 =	simm.s32 $0x9;
	s24 =	simm.s32 $0x4  }
0x9: {  	s25 =	simm.s32 $0xA;
	s5 =	sand.u32 $0x1, s5;
	s6 =	sshll.u32 s6, $0x1  }
0xa: {  	s26 =	simm.s32 $0x12400;
	s30 =	simm.s32 $0x7;
	s6 =	sor.u32 s5, s6  }
0xb: {  	v0 =	vlaneseq.u32;
	s31 =	simm.s32 $0x8;
	s7 =	ssub.s32 $0x2, s5;
	s8 =	smul.u32 $0xC80, s6  }
0xc: {  	[smem:$0x7FF] =	sst s4;
	v0 =	vmul.u32 $0x2, v0;
	s28 =	sshrl.u32 s7, $0x1;
	s10 =	smul.u32 $0x6400, s6  }
0xd: {  	_ =	strace $0x80000047;
	s5 =	sadd.s32 $0xC00, s2;
	s2 =	ssub.s32 s7, s28  }
0xe: {  	v1 =	vor.u32 $0x1, v0;
	s7 =	smul.u32 $0x320000, s6;
	s0 =	sadd.s32 s0, s8;
	s8 =	sor.u32 $0x80, s10  }
0xf: {  	v2 =	vor.u32 $0x20, v0;
	v3 =	vor.u32 $0x21, v0;
	v4 =	vor.u32 $0x40, v0;
	s9 =	sor.u32 $0x100, s10;
	s29 =	smax.u32 s2, $0x1;
	[dreg:$0x5] =	wrdreg s0  }
0x10: {  	v5 =	vor.u32 $0x41, v0;
	v6 =	vor.u32 $0x60, v0;
	v7 =	vor.u32 $0x61, v0;
	s10 =	sor.u32 $0x180, s10;
	[dreg:$0x6] =	wrdreg s29;
	s0 =	simm.s32 $0x0  }
.LBB2_1:
0x11: {  	s2 =	rddreg [dreg:$0x5];
	s28 =	simm.s32 $0xB  }
0x12: {  	[tilespmem:s4], [sflag:$0xB] =	stream.linear.gather [hbm4b:s2+s4], $0x6400, $0x38;
	[tilespmem:$0x1E400] =	vst v63  }
0x13: {  	_ =	swait.ge [sflag:s28], $0x6400  }
0x14: {  	[sflag:s28] =	ssyncset.done $0x0  }
0x15: {  	s29 =	simm.s32 $0x80;
	[sflag:s28] =	ssyncadd.s32 $0xFFFF9C00  }
0x16: {  	[tilespmem:s14], [sflag:$0x1] =	stream.indirect.gather [hbm4b:s1+s29], $0x80, s4, s29, $0xb8;
	[tilespmem:$0x1E400] =	vst v63  }
0x17: {  	_ = 	snop  }
0x18: {  	[tilespmem:s15], [sflag:$0x2] =	stream.indirect.gather [hbm4b:s1+s29], $0x80, s29, s29, $0xb8;
	[tilespmem:$0x1E400] =	vst v63  }
0x19: {  	s6 =	simm.s32 $0x100;
	s2 =	simm.s32 $0x0  }
0x1a: {  	[tilespmem:s17], [sflag:$0x3] =	stream.indirect.gather [hbm4b:s1+s29], $0x80, s6, s29, $0xb8;
	[tilespmem:$0x1E400] =	vst v63  }
.LBB2_2:
0x1b: {  	_ =	swait.ge [sflag:s18], $0x4000  }
0x1c: {  	p0 =	sne.s32 s2, $0x0;
	[sflag:s18] =	ssyncset.done $0x0  }
0x1d: {  	s6 =	simm.s32 @p0 $0x8;
	[sflag:s18] =	ssyncadd.s32 $0xFFFFC000  }
0x1e: {  	_ =	swait.ge @p0 [sflag:s6], $0x4000  }
0x1f: {  	s11 =	sshll.u32 @p0 s2, $0x9;
	[sflag:s6] =	ssyncset.done @p0 $0x0  }
0x20: {  	s29 =	simm.s32 $0x0;
	[sflag:s6] =	ssyncadd.s32 @p0 $0xFFFFC000;
	s6 =	sand.u32 @p0 $0x3FFFFE00, s11  }
0x21: {  	s12 =	simm.s32 @p0 $0x12400;
	s11 =	simm.s32 @p0 $0x80;
	s6 =	sor.u32 @p0 $0x180, s6  }
0x22: {  	[tilespmem:s12], [sflag:$0x4] =	stream.indirect.gather @p0 [hbm4b:s1+s11], $0x80, s6, s11, $0xb8;
	[tilespmem:$0x1E400] =	vst v63  }
0x23: {  	v8 =	vor.u32 s29, v0;
	s6 =	simm.s32 @p0 $0x9  }
0x24: {  	v9 =	vor.u32 s29, v1;
	_ =	swait.ge @p0 [sflag:s6], $0x4000  }
0x25: {  	s13 =	simm.s32 @!p0 $0x12400;
	[sflag:s6] =	ssyncset.done @p0 $0x0  }
0x26: {  	s12 =	simm.s32 @!p0 $0x180;
	[sflag:s6] =	ssyncadd.s32 @p0 $0xFFFFC000;
	s6 =	simm.s32 @!p0 $0x80  }
0x27: {  	[tilespmem:s13], [sflag:$0x4] =	stream.indirect.gather @!p0 [hbm4b:s1+s6], $0x80, s12, s6, $0xb8;
	[tilespmem:$0x1E400] =	vst v63  }
0x28: {  	v8 =	vld.idx.msk [tilespmem:v8+s14+$0x0], $0xffff  }
0x29: {  	v9 =	vld.idx.msk [tilespmem:v9+s14+$0x0], $0xffff;
	_ =	sdelay $0x1  }
0x2a: {  	v10 =	vor.u32 s29, v2  }
0x2b: {  	v11 =	vor.u32 s29, v3;
	_ =	sdelay $0x1  }
0x2c: {  	s6 =	simm.s32 $0x16420;
	v8 =	vmax.f32 v8, v9  }
0x2d: {  	[tilespmem:s6+$0xFFFFFFE0] =	vst v8  }
0x2e: {  	v8 =	vld.idx.msk [tilespmem:v10+s14+$0x0], $0xffff  }
0x2f: {  	v9 =	vld.idx.msk [tilespmem:v11+s14+$0x0], $0xffff;
	_ =	sdelay $0x1  }
0x30: {  	v10 =	vor.u32 s29, v4  }
0x31: {  	v11 =	vor.u32 s29, v5;
	_ =	sdelay $0x1  }
0x32: {  	v8 =	vmax.f32 v8, v9  }
0x33: {  	[tilespmem:s6+$0xFFFFFFF0] =	vst v8  }
0x34: {  	v8 =	vld.idx.msk [tilespmem:v10+s14+$0x0], $0xffff  }
0x35: {  	v9 =	vld.idx.msk [tilespmem:v11+s14+$0x0], $0xffff;
	_ =	sdelay $0x1  }
0x36: {  	v10 =	vor.u32 s29, v6  }
0x37: {  	v11 =	vor.u32 s29, v7;
	_ =	sdelay $0x1  }
0x38: {  	v8 =	vmax.f32 v8, v9  }
0x39: {  	[tilespmem:s6+$0x0] =	vst v8  }
0x3a: {  	v8 =	vld.idx.msk [tilespmem:v10+s14+$0x0], $0xffff  }
0x3b: {  	s11 =	simm.s32 $0x80;
	s13 =	simm.s32 $0x2;
	s12 =	simm.s32 $0x16420;
	v9 =	vld.idx.msk [tilespmem:v11+s14+$0x0], $0xffff  }
.LBB2_3:
0x3c: {  	p0 =	sne.s32 s13, $0x7F  }
0x3d: {  	v10 =	vor.u32 s11, v0;
	v11 =	vor.u32 s11, v1;
	s6 =	sadd.s32 $0x80, s6;
	s16 =	smov.u32 s13;
	s13 =	sadd.s32 $0x1, s13  }
0x3e: {  	_ =	sdelay $0x1  }
0x3f: {  	v8 =	vmax.f32 v8, v9  }
0x40: {  	[tilespmem:s12+$0x10] =	vst v8;
	s12 =	smov.u32 s6  }
0x41: {  	v8 =	vld.idx.msk [tilespmem:v10+s14+$0x0], $0xffff  }
0x42: {  	v9 =	vld.idx.msk [tilespmem:v11+s14+$0x0], $0xffff;
	_ =	sdelay $0x2  }
0x43: {  	v10 =	vor.u32 s11, v2;
	v11 =	vor.u32 s11, v3;
	_ =	sdelay $0x2  }
0x44: {  	v8 =	vmax.f32 v8, v9  }
0x45: {  	[tilespmem:s6+$0xFFFFFFE0] =	vst v8  }
0x46: {  	v8 =	vld.idx.msk [tilespmem:v10+s14+$0x0], $0xffff  }
0x47: {  	v9 =	vld.idx.msk [tilespmem:v11+s14+$0x0], $0xffff;
	_ =	sdelay $0x2  }
0x48: {  	v10 =	vor.u32 s11, v4;
	v11 =	vor.u32 s11, v5;
	_ =	sdelay $0x2  }
0x49: {  	v8 =	vmax.f32 v8, v9  }
0x4a: {  	[tilespmem:s6+$0xFFFFFFF0] =	vst v8  }
0x4b: {  	v8 =	vld.idx.msk [tilespmem:v10+s14+$0x0], $0xffff  }
0x4c: {  	v9 =	vld.idx.msk [tilespmem:v11+s14+$0x0], $0xffff;
	_ =	sdelay $0x2  }
0x4d: {  	v10 =	vor.u32 s11, v6;
	v11 =	vor.u32 s11, v7;
	_ =	sdelay $0x2  }
0x4e: {  	v8 =	vmax.f32 v8, v9  }
.Ltmp0:
0x4f: {  	[tilespmem:s6+$0x0] =	vst v8;
	(pc) =	sbr.rel @p0 .LBB2_3-.Ltmp0, $3  }
0x50: {  	v8 =	vld.idx.msk [tilespmem:v10+s14+$0x0], $0xffff  }
0x51: {  	v9 =	vld.idx.msk [tilespmem:v11+s14+$0x0], $0xffff;
	_ =	sdelay $0x1  }
0x52: {  	s11 =	sshll.u32 s16, $0x7  }
0x53: {  	v10 =	vor.u32 s11, v0  }
0x54: {  	v11 =	vor.u32 s11, v1;
	_ =	sdelay $0x1  }
0x55: {  	v8 =	vmax.f32 v8, v9  }
0x56: {  	[tilespmem:s12+$0x10] =	vst v8  }
0x57: {  	v8 =	vld.idx.msk [tilespmem:v10+s14+$0x0], $0xffff  }
0x58: {  	v9 =	vld.idx.msk [tilespmem:v11+s14+$0x0], $0xffff;
	_ =	sdelay $0x1  }
0x59: {  	v10 =	vor.u32 s11, v2  }
0x5a: {  	v11 =	vor.u32 s11, v3;
	_ =	sdelay $0x1  }
0x5b: {  	s6 =	sadd.s32 $0x80, s6;
	v8 =	vmax.f32 v8, v9  }
0x5c: {  	[tilespmem:s6+$0xFFFFFFE0] =	vst v8  }
0x5d: {  	v8 =	vld.idx.msk [tilespmem:v10+s14+$0x0], $0xffff  }
0x5e: {  	v9 =	vld.idx.msk [tilespmem:v11+s14+$0x0], $0xffff;
	_ =	sdelay $0x1  }
0x5f: {  	v10 =	vor.u32 s11, v4  }
0x60: {  	v11 =	vor.u32 s11, v5;
	_ =	sdelay $0x1  }
0x61: {  	v8 =	vmax.f32 v8, v9  }
0x62: {  	[tilespmem:s6+$0xFFFFFFF0] =	vst v8  }
0x63: {  	v8 =	vld.idx.msk [tilespmem:v10+s14+$0x0], $0xffff  }
0x64: {  	v9 =	vld.idx.msk [tilespmem:v11+s14+$0x0], $0xffff;
	_ =	sdelay $0x1  }
0x65: {  	v10 =	vor.u32 s11, v6  }
0x66: {  	v11 =	vor.u32 s11, v7;
	_ =	sdelay $0x1  }
0x67: {  	v8 =	vmax.f32 v8, v9  }
0x68: {  	[tilespmem:s6+$0x0] =	vst v8  }
0x69: {  	v8 =	vld.idx.msk [tilespmem:v10+s14+$0x0], $0xffff  }
0x6a: {  	v9 =	vld.idx.msk [tilespmem:v11+s14+$0x0], $0xffff;
	_ =	sdelay $0x2  }
0x6b: {  	s12 =	sshll.u32 s2, $0x10  }
0x6c: {  	s11 =	sadd.s32 s7, s12  }
0x6d: {  	s11 =	sshrl.u32 s11, $0x3;
	v8 =	vmax.f32 v8, v9  }
0x6e: {  	s13 =	sadd.s32 s3, s11;
	[tilespmem:s6+$0x10] =	vst v8  }
0x6f: {  	[hbm4b:s13+s4] =	stream.linear.scatter [tilespmem:s14], [sflag:$0x5], $0x4000, $0x38;
	[tilespmem:$0x1E400] =	vst v63  }
0x70: {  	s16 =	sadd.s32 s5, s11  }
0x71: {  	[hbm4b:s16+s4] =	stream.linear.scatter [tilespmem:s19], [sflag:$0x9], $0x4000, $0x38;
	[tilespmem:$0x1E400] =	vst v63  }
0x72: {  	_ =	swait.ge [sflag:s20], $0x4000  }
0x73: {  	p0 =	seq.s32 s2, $0x31;
	[sflag:s20] =	ssyncset.done $0x0  }
0x74: {  	s6 =	simm.s32 @!p0 $0x5;
	[sflag:s20] =	ssyncadd.s32 $0xFFFFC000  }
0x75: {  	s29 =	simm.s32 $0x0;
	_ =	swait.ge @!p0 [sflag:s6], $0x4000  }
0x76: {  	p1 =	seq.s32 @!p0 s2, $0x0;
	s11 =	sshll.u32 @!p0 s2, $0x9;
	[sflag:s6] =	ssyncset.done @!p0 $0x0  }
0x77: {  	p1 =	por p0, !p1;
	[sflag:s6] =	ssyncadd.s32 @!p0 $0xFFFFC000;
	s6 =	sand.u32 @!p0 $0x3FFFFE00, s11  }
0x78: {  	s12 =	simm.s32 @!p0 $0x80;
	v8 =	vor.u32 s29, v0;
	s13 =	simm.s32 @!p0 $0x6400;
	s11 =	sadd.s32 @!p0 $0x200, s6  }
0x79: {  	v9 =	vor.u32 s29, v1;
	[tilespmem:s13], [sflag:$0x1] =	stream.indirect.gather @!p0 [hbm4b:s1+s12], $0x80, s11, s12, $0xb8;
	[tilespmem:$0x1E400] =	vst v63  }
0x7a: {  	_ =	swait.ge @p1 [sflag:s25], $0x4000  }
0x7b: {  	[sflag:s25] =	ssyncset.done @p1 $0x0  }
0x7c: {  	[sflag:s25] =	ssyncadd.s32 @p1 $0xFFFFC000  }
0x7d: {  	v8 =	vld.idx.msk [tilespmem:v8+s15+$0x0], $0xffff  }
0x7e: {  	v9 =	vld.idx.msk [tilespmem:v9+s15+$0x0], $0xffff;
	_ =	sdelay $0x1  }
0x7f: {  	v10 =	vor.u32 s29, v2  }
0x80: {  	v11 =	vor.u32 s29, v3;
	_ =	sdelay $0x1  }
0x81: {  	s11 =	simm.s32 $0x1A400;
	v8 =	vmax.f32 v8, v9  }
0x82: {  	[tilespmem:s11+$0x0] =	vst v8  }
0x83: {  	v8 =	vld.idx.msk [tilespmem:v10+s15+$0x0], $0xffff  }
0x84: {  	v9 =	vld.idx.msk [tilespmem:v11+s15+$0x0], $0xffff;
	_ =	sdelay $0x1  }
0x85: {  	v10 =	vor.u32 s29, v4  }
0x86: {  	v11 =	vor.u32 s29, v5;
	_ =	sdelay $0x1  }
0x87: {  	v8 =	vmax.f32 v8, v9  }
0x88: {  	[tilespmem:s11+$0x10] =	vst v8  }
0x89: {  	v8 =	vld.idx.msk [tilespmem:v10+s15+$0x0], $0xffff  }
0x8a: {  	v9 =	vld.idx.msk [tilespmem:v11+s15+$0x0], $0xffff;
	_ =	sdelay $0x1  }
0x8b: {  	v10 =	vor.u32 s29, v6  }
0x8c: {  	v11 =	vor.u32 s29, v7;
	_ =	sdelay $0x1  }
0x8d: {  	v8 =	vmax.f32 v8, v9  }
0x8e: {  	[tilespmem:s11+$0x20] =	vst v8  }
0x8f: {  	s28 =	simm.s32 $0x2;
	v8 =	vld.idx.msk [tilespmem:v10+s15+$0x0], $0xffff  }
0x90: {  	s16 =	sshll.u32 s2, $0x9;
	s12 =	simm.s32 $0x80;
	s13 =	simm.s32 $0x1A400;
	v9 =	vld.idx.msk [tilespmem:v11+s15+$0x0], $0xffff  }
.LBB2_5:
0x91: {  	p1 =	sne.s32 s28, $0x7F  }
0x92: {  	v10 =	vor.u32 s12, v0;
	v11 =	vor.u32 s12, v1;
	s11 =	sadd.s32 $0x80, s11;
	s29 =	smov.u32 s28;
	s28 =	sadd.s32 $0x1, s28  }
0x93: {  	_ =	sdelay $0x1  }
0x94: {  	v8 =	vmax.f32 v8, v9  }
0x95: {  	[tilespmem:s13+$0x30] =	vst v8;
	s13 =	smov.u32 s11  }
0x96: {  	v8 =	vld.idx.msk [tilespmem:v10+s15+$0x0], $0xffff  }
0x97: {  	v9 =	vld.idx.msk [tilespmem:v11+s15+$0x0], $0xffff;
	_ =	sdelay $0x2  }
0x98: {  	v10 =	vor.u32 s12, v2;
	v11 =	vor.u32 s12, v3;
	_ =	sdelay $0x2  }
0x99: {  	v8 =	vmax.f32 v8, v9  }
0x9a: {  	[tilespmem:s11+$0x0] =	vst v8  }
0x9b: {  	v8 =	vld.idx.msk [tilespmem:v10+s15+$0x0], $0xffff  }
0x9c: {  	v9 =	vld.idx.msk [tilespmem:v11+s15+$0x0], $0xffff;
	_ =	sdelay $0x2  }
0x9d: {  	v10 =	vor.u32 s12, v4;
	v11 =	vor.u32 s12, v5;
	_ =	sdelay $0x2  }
0x9e: {  	v8 =	vmax.f32 v8, v9  }
0x9f: {  	[tilespmem:s11+$0x10] =	vst v8  }
0xa0: {  	v8 =	vld.idx.msk [tilespmem:v10+s15+$0x0], $0xffff  }
0xa1: {  	v9 =	vld.idx.msk [tilespmem:v11+s15+$0x0], $0xffff;
	_ =	sdelay $0x2  }
0xa2: {  	v10 =	vor.u32 s12, v6;
	v11 =	vor.u32 s12, v7;
	_ =	sdelay $0x2  }
0xa3: {  	v8 =	vmax.f32 v8, v9  }
.Ltmp1:
0xa4: {  	[tilespmem:s11+$0x20] =	vst v8;
	(pc) =	sbr.rel @p1 .LBB2_5-.Ltmp1, $3  }
0xa5: {  	v8 =	vld.idx.msk [tilespmem:v10+s15+$0x0], $0xffff  }
0xa6: {  	v9 =	vld.idx.msk [tilespmem:v11+s15+$0x0], $0xffff;
	_ =	sdelay $0x1  }
0xa7: {  	s12 =	sshll.u32 s29, $0x7  }
0xa8: {  	v10 =	vor.u32 s12, v0  }
0xa9: {  	v11 =	vor.u32 s12, v1;
	_ =	sdelay $0x1  }
0xaa: {  	v8 =	vmax.f32 v8, v9  }
0xab: {  	[tilespmem:s13+$0x30] =	vst v8  }
0xac: {  	v8 =	vld.idx.msk [tilespmem:v10+s15+$0x0], $0xffff  }
0xad: {  	v9 =	vld.idx.msk [tilespmem:v11+s15+$0x0], $0xffff;
	_ =	sdelay $0x1  }
0xae: {  	v10 =	vor.u32 s12, v2  }
0xaf: {  	v11 =	vor.u32 s12, v3;
	_ =	sdelay $0x1  }
0xb0: {  	s11 =	sadd.s32 $0x80, s11;
	v8 =	vmax.f32 v8, v9  }
0xb1: {  	[tilespmem:s11+$0x0] =	vst v8  }
0xb2: {  	v8 =	vld.idx.msk [tilespmem:v10+s15+$0x0], $0xffff  }
0xb3: {  	v9 =	vld.idx.msk [tilespmem:v11+s15+$0x0], $0xffff;
	_ =	sdelay $0x1  }
0xb4: {  	v10 =	vor.u32 s12, v4  }
0xb5: {  	v11 =	vor.u32 s12, v5;
	_ =	sdelay $0x1  }
0xb6: {  	v8 =	vmax.f32 v8, v9  }
0xb7: {  	[tilespmem:s11+$0x10] =	vst v8  }
0xb8: {  	v8 =	vld.idx.msk [tilespmem:v10+s15+$0x0], $0xffff  }
0xb9: {  	v9 =	vld.idx.msk [tilespmem:v11+s15+$0x0], $0xffff;
	_ =	sdelay $0x1  }
0xba: {  	v10 =	vor.u32 s12, v6  }
0xbb: {  	v11 =	vor.u32 s12, v7;
	_ =	sdelay $0x1  }
0xbc: {  	v8 =	vmax.f32 v8, v9  }
0xbd: {  	[tilespmem:s11+$0x20] =	vst v8  }
0xbe: {  	v8 =	vld.idx.msk [tilespmem:v10+s15+$0x0], $0xffff  }
0xbf: {  	v9 =	vld.idx.msk [tilespmem:v11+s15+$0x0], $0xffff;
	_ =	sdelay $0x3  }
0xc0: {  	s13 =	sadd.s32 s16, s8  }
0xc1: {  	s12 =	sshll.u32 s13, $0x4;
	v8 =	vmax.f32 v8, v9  }
0xc2: {  	s29 =	sadd.s32 s3, s12;
	[tilespmem:s11+$0x30] =	vst v8  }
0xc3: {  	[hbm4b:s29+s4] =	stream.linear.scatter [tilespmem:s15], [sflag:$0x6], $0x4000, $0x38;
	[tilespmem:$0x1E400] =	vst v63  }
0xc4: {  	s13 =	sadd.s32 s5, s12  }
0xc5: {  	[hbm4b:s13+s4] =	stream.linear.scatter [tilespmem:s21], [sflag:$0xA], $0x4000, $0x38;
	[tilespmem:$0x1E400] =	vst v63  }
0xc6: {  	_ =	swait.ge [sflag:s22], $0x4000  }
0xc7: {  	[sflag:s22] =	ssyncset.done $0x0  }
0xc8: {  	s11 =	simm.s32 @!p0 $0x6;
	[sflag:s22] =	ssyncadd.s32 $0xFFFFC000  }
0xc9: {  	_ =	swait.ge @!p0 [sflag:s11], $0x4000  }
0xca: {  	s28 =	simm.s32 @!p0 $0xA400;
	s29 =	simm.s32 $0x0;
	[sflag:s11] =	ssyncset.done @!p0 $0x0  }
0xcb: {  	v8 =	vor.u32 s29, v0;
	s13 =	simm.s32 @!p0 $0x80;
	[sflag:s11] =	ssyncadd.s32 @!p0 $0xFFFFC000;
	s11 =	sadd.s32 @!p0 $0x280, s6  }
0xcc: {  	v9 =	vor.u32 s29, v1;
	[tilespmem:s28], [sflag:$0x2] =	stream.indirect.gather @!p0 [hbm4b:s1+s13], $0x80, s11, s13, $0xb8;
	[tilespmem:$0x1E400] =	vst v63  }
0xcd: {  	_ =	swait.ge [sflag:s23], $0x4000  }
0xce: {  	[sflag:s23] =	ssyncset.done $0x0  }
0xcf: {  	[sflag:s23] =	ssyncadd.s32 $0xFFFFC000  }
0xd0: {  	v8 =	vld.idx.msk [tilespmem:v8+s17+$0x0], $0xffff  }
0xd1: {  	v9 =	vld.idx.msk [tilespmem:v9+s17+$0x0], $0xffff;
	_ =	sdelay $0x1  }
0xd2: {  	v10 =	vor.u32 s29, v2  }
0xd3: {  	v11 =	vor.u32 s29, v3;
	_ =	sdelay $0x1  }
0xd4: {  	s11 =	simm.s32 $0x16420;
	v8 =	vmax.f32 v8, v9  }
0xd5: {  	[tilespmem:s11+$0xFFFFFFE0] =	vst v8  }
0xd6: {  	v8 =	vld.idx.msk [tilespmem:v10+s17+$0x0], $0xffff  }
0xd7: {  	v9 =	vld.idx.msk [tilespmem:v11+s17+$0x0], $0xffff;
	_ =	sdelay $0x1  }
0xd8: {  	v10 =	vor.u32 s29, v4  }
0xd9: {  	v11 =	vor.u32 s29, v5;
	_ =	sdelay $0x1  }
0xda: {  	v8 =	vmax.f32 v8, v9  }
0xdb: {  	[tilespmem:s11+$0xFFFFFFF0] =	vst v8  }
0xdc: {  	v8 =	vld.idx.msk [tilespmem:v10+s17+$0x0], $0xffff  }
0xdd: {  	v9 =	vld.idx.msk [tilespmem:v11+s17+$0x0], $0xffff;
	_ =	sdelay $0x1  }
0xde: {  	v10 =	vor.u32 s29, v6  }
0xdf: {  	v11 =	vor.u32 s29, v7;
	_ =	sdelay $0x1  }
0xe0: {  	v8 =	vmax.f32 v8, v9  }
0xe1: {  	[tilespmem:s11+$0x0] =	vst v8  }
0xe2: {  	v8 =	vld.idx.msk [tilespmem:v10+s17+$0x0], $0xffff  }
0xe3: {  	s12 =	simm.s32 $0x80;
	s28 =	simm.s32 $0x2;
	s13 =	simm.s32 $0x16420;
	v9 =	vld.idx.msk [tilespmem:v11+s17+$0x0], $0xffff  }
.LBB2_7:
0xe4: {  	p1 =	sne.s32 s28, $0x7F  }
0xe5: {  	v10 =	vor.u32 s12, v0;
	v11 =	vor.u32 s12, v1;
	s11 =	sadd.s32 $0x80, s11;
	s29 =	smov.u32 s28;
	s28 =	sadd.s32 $0x1, s28  }
0xe6: {  	_ =	sdelay $0x1  }
0xe7: {  	v8 =	vmax.f32 v8, v9  }
0xe8: {  	[tilespmem:s13+$0x10] =	vst v8;
	s13 =	smov.u32 s11  }
0xe9: {  	v8 =	vld.idx.msk [tilespmem:v10+s17+$0x0], $0xffff  }
0xea: {  	v9 =	vld.idx.msk [tilespmem:v11+s17+$0x0], $0xffff;
	_ =	sdelay $0x2  }
0xeb: {  	v10 =	vor.u32 s12, v2;
	v11 =	vor.u32 s12, v3;
	_ =	sdelay $0x2  }
0xec: {  	v8 =	vmax.f32 v8, v9  }
0xed: {  	[tilespmem:s11+$0xFFFFFFE0] =	vst v8  }
0xee: {  	v8 =	vld.idx.msk [tilespmem:v10+s17+$0x0], $0xffff  }
0xef: {  	v9 =	vld.idx.msk [tilespmem:v11+s17+$0x0], $0xffff;
	_ =	sdelay $0x2  }
0xf0: {  	v10 =	vor.u32 s12, v4;
	v11 =	vor.u32 s12, v5;
	_ =	sdelay $0x2  }
0xf1: {  	v8 =	vmax.f32 v8, v9  }
0xf2: {  	[tilespmem:s11+$0xFFFFFFF0] =	vst v8  }
0xf3: {  	v8 =	vld.idx.msk [tilespmem:v10+s17+$0x0], $0xffff  }
0xf4: {  	v9 =	vld.idx.msk [tilespmem:v11+s17+$0x0], $0xffff;
	_ =	sdelay $0x2  }
0xf5: {  	v10 =	vor.u32 s12, v6;
	v11 =	vor.u32 s12, v7;
	_ =	sdelay $0x2  }
0xf6: {  	v8 =	vmax.f32 v8, v9  }
.Ltmp2:
0xf7: {  	[tilespmem:s11+$0x0] =	vst v8;
	(pc) =	sbr.rel @p1 .LBB2_7-.Ltmp2, $3  }
0xf8: {  	v8 =	vld.idx.msk [tilespmem:v10+s17+$0x0], $0xffff  }
0xf9: {  	v9 =	vld.idx.msk [tilespmem:v11+s17+$0x0], $0xffff;
	_ =	sdelay $0x1  }
0xfa: {  	s12 =	sshll.u32 s29, $0x7  }
0xfb: {  	v10 =	vor.u32 s12, v0  }
0xfc: {  	v11 =	vor.u32 s12, v1;
	_ =	sdelay $0x1  }
0xfd: {  	v8 =	vmax.f32 v8, v9  }
0xfe: {  	[tilespmem:s13+$0x10] =	vst v8  }
0xff: {  	v8 =	vld.idx.msk [tilespmem:v10+s17+$0x0], $0xffff  }
0x100: {  	v9 =	vld.idx.msk [tilespmem:v11+s17+$0x0], $0xffff;
	_ =	sdelay $0x1  }
0x101: {  	v10 =	vor.u32 s12, v2  }
0x102: {  	v11 =	vor.u32 s12, v3;
	_ =	sdelay $0x1  }
0x103: {  	s11 =	sadd.s32 $0x80, s11;
	v8 =	vmax.f32 v8, v9  }
0x104: {  	[tilespmem:s11+$0xFFFFFFE0] =	vst v8  }
0x105: {  	v8 =	vld.idx.msk [tilespmem:v10+s17+$0x0], $0xffff  }
0x106: {  	v9 =	vld.idx.msk [tilespmem:v11+s17+$0x0], $0xffff;
	_ =	sdelay $0x1  }
0x107: {  	v10 =	vor.u32 s12, v4  }
0x108: {  	v11 =	vor.u32 s12, v5;
	_ =	sdelay $0x1  }
0x109: {  	v8 =	vmax.f32 v8, v9  }
0x10a: {  	[tilespmem:s11+$0xFFFFFFF0] =	vst v8  }
0x10b: {  	v8 =	vld.idx.msk [tilespmem:v10+s17+$0x0], $0xffff  }
0x10c: {  	v9 =	vld.idx.msk [tilespmem:v11+s17+$0x0], $0xffff;
	_ =	sdelay $0x1  }
0x10d: {  	v10 =	vor.u32 s12, v6  }
0x10e: {  	v11 =	vor.u32 s12, v7;
	_ =	sdelay $0x1  }
0x10f: {  	v8 =	vmax.f32 v8, v9  }
0x110: {  	[tilespmem:s11+$0x0] =	vst v8  }
0x111: {  	v8 =	vld.idx.msk [tilespmem:v10+s17+$0x0], $0xffff  }
0x112: {  	v9 =	vld.idx.msk [tilespmem:v11+s17+$0x0], $0xffff;
	_ =	sdelay $0x3  }
0x113: {  	s29 =	sadd.s32 s16, s9  }
0x114: {  	s12 =	sshll.u32 s29, $0x4;
	v8 =	vmax.f32 v8, v9  }
0x115: {  	s13 =	sadd.s32 s3, s12;
	[tilespmem:s11+$0x10] =	vst v8  }
0x116: {  	[hbm4b:s13+s4] =	stream.linear.scatter [tilespmem:s17], [sflag:$0x7], $0x4000, $0x38;
	[tilespmem:$0x1E400] =	vst v63  }
0x117: {  	s28 =	sadd.s32 s5, s12  }
0x118: {  	[hbm4b:s28+s4] =	stream.linear.scatter [tilespmem:s19], [sflag:$0x9], $0x4000, $0x38;
	[tilespmem:$0x1E400] =	vst v63  }
0x119: {  	_ =	swait.ge [sflag:s24], $0x4000  }
0x11a: {  	[sflag:s24] =	ssyncset.done $0x0  }
0x11b: {  	s11 =	simm.s32 @!p0 $0x7;
	[sflag:s24] =	ssyncadd.s32 $0xFFFFC000  }
0x11c: {  	_ =	swait.ge @!p0 [sflag:s11], $0x4000  }
0x11d: {  	s6 =	sadd.s32 @!p0 $0x300, s6;
	s29 =	simm.s32 $0x0;
	[sflag:s11] =	ssyncset.done @!p0 $0x0  }
0x11e: {  	s12 =	simm.s32 @!p0 $0x80;
	v8 =	vor.u32 s29, v0;
	s13 =	simm.s32 @!p0 $0xE400;
	[sflag:s11] =	ssyncadd.s32 @!p0 $0xFFFFC000  }
0x11f: {  	v9 =	vor.u32 s29, v1;
	[tilespmem:s13], [sflag:$0x3] =	stream.indirect.gather @!p0 [hbm4b:s1+s12], $0x80, s6, s12, $0xb8;
	[tilespmem:$0x1E400] =	vst v63  }
0x120: {  	_ =	swait.ge [sflag:s25], $0x4000  }
0x121: {  	[sflag:s25] =	ssyncset.done $0x0  }
0x122: {  	[sflag:s25] =	ssyncadd.s32 $0xFFFFC000  }
0x123: {  	v8 =	vld.idx.msk [tilespmem:v8+s26+$0x0], $0xffff  }
0x124: {  	v9 =	vld.idx.msk [tilespmem:v9+s26+$0x0], $0xffff;
	_ =	sdelay $0x1  }
0x125: {  	v10 =	vor.u32 s29, v2  }
0x126: {  	v11 =	vor.u32 s29, v3;
	_ =	sdelay $0x1  }
0x127: {  	s6 =	simm.s32 $0x1A400;
	v8 =	vmax.f32 v8, v9  }
0x128: {  	[tilespmem:s6+$0x0] =	vst v8  }
0x129: {  	v8 =	vld.idx.msk [tilespmem:v10+s26+$0x0], $0xffff  }
0x12a: {  	v9 =	vld.idx.msk [tilespmem:v11+s26+$0x0], $0xffff;
	_ =	sdelay $0x1  }
0x12b: {  	v10 =	vor.u32 s29, v4  }
0x12c: {  	v11 =	vor.u32 s29, v5;
	_ =	sdelay $0x1  }
0x12d: {  	v8 =	vmax.f32 v8, v9  }
0x12e: {  	[tilespmem:s6+$0x10] =	vst v8  }
0x12f: {  	v8 =	vld.idx.msk [tilespmem:v10+s26+$0x0], $0xffff  }
0x130: {  	v9 =	vld.idx.msk [tilespmem:v11+s26+$0x0], $0xffff;
	_ =	sdelay $0x1  }
0x131: {  	v10 =	vor.u32 s29, v6  }
0x132: {  	v11 =	vor.u32 s29, v7;
	_ =	sdelay $0x1  }
0x133: {  	v8 =	vmax.f32 v8, v9  }
0x134: {  	[tilespmem:s6+$0x20] =	vst v8  }
0x135: {  	v8 =	vld.idx.msk [tilespmem:v10+s26+$0x0], $0xffff  }
0x136: {  	s11 =	simm.s32 $0x80;
	s13 =	simm.s32 $0x2;
	s12 =	simm.s32 $0x1A400;
	v9 =	vld.idx.msk [tilespmem:v11+s26+$0x0], $0xffff  }
.LBB2_9:
0x137: {  	p0 =	sne.s32 s13, $0x7F  }
0x138: {  	v10 =	vor.u32 s11, v0;
	v11 =	vor.u32 s11, v1;
	s6 =	sadd.s32 $0x80, s6;
	s28 =	smov.u32 s13;
	s13 =	sadd.s32 $0x1, s13  }
0x139: {  	_ =	sdelay $0x1  }
0x13a: {  	v8 =	vmax.f32 v8, v9  }
0x13b: {  	[tilespmem:s12+$0x30] =	vst v8;
	s12 =	smov.u32 s6  }
0x13c: {  	v8 =	vld.idx.msk [tilespmem:v10+s26+$0x0], $0xffff  }
0x13d: {  	v9 =	vld.idx.msk [tilespmem:v11+s26+$0x0], $0xffff;
	_ =	sdelay $0x2  }
0x13e: {  	v10 =	vor.u32 s11, v2;
	v11 =	vor.u32 s11, v3;
	_ =	sdelay $0x2  }
0x13f: {  	v8 =	vmax.f32 v8, v9  }
0x140: {  	[tilespmem:s6+$0x0] =	vst v8  }
0x141: {  	v8 =	vld.idx.msk [tilespmem:v10+s26+$0x0], $0xffff  }
0x142: {  	v9 =	vld.idx.msk [tilespmem:v11+s26+$0x0], $0xffff;
	_ =	sdelay $0x2  }
0x143: {  	v10 =	vor.u32 s11, v4;
	v11 =	vor.u32 s11, v5;
	_ =	sdelay $0x2  }
0x144: {  	v8 =	vmax.f32 v8, v9  }
0x145: {  	[tilespmem:s6+$0x10] =	vst v8  }
0x146: {  	v8 =	vld.idx.msk [tilespmem:v10+s26+$0x0], $0xffff  }
0x147: {  	v9 =	vld.idx.msk [tilespmem:v11+s26+$0x0], $0xffff;
	_ =	sdelay $0x2  }
0x148: {  	v10 =	vor.u32 s11, v6;
	v11 =	vor.u32 s11, v7;
	_ =	sdelay $0x2  }
0x149: {  	v8 =	vmax.f32 v8, v9  }
.Ltmp3:
0x14a: {  	[tilespmem:s6+$0x20] =	vst v8;
	(pc) =	sbr.rel @p0 .LBB2_9-.Ltmp3, $3  }
0x14b: {  	v8 =	vld.idx.msk [tilespmem:v10+s26+$0x0], $0xffff  }
0x14c: {  	v9 =	vld.idx.msk [tilespmem:v11+s26+$0x0], $0xffff;
	_ =	sdelay $0x1  }
0x14d: {  	s11 =	sshll.u32 s28, $0x7  }
0x14e: {  	v10 =	vor.u32 s11, v0  }
0x14f: {  	v11 =	vor.u32 s11, v1;
	_ =	sdelay $0x1  }
0x150: {  	v8 =	vmax.f32 v8, v9  }
0x151: {  	[tilespmem:s12+$0x30] =	vst v8  }
0x152: {  	v8 =	vld.idx.msk [tilespmem:v10+s26+$0x0], $0xffff  }
0x153: {  	v54 =	vld.idx.msk [tilespmem:v11+s26+$0x0], $0xffff;
	_ =	sdelay $0x1  }
0x154: {  	v55 =	vor.u32 s11, v2  }
0x155: {  	v56 =	vor.u32 s11, v3;
	_ =	sdelay $0x1  }
0x156: {  	s6 =	sadd.s32 $0x80, s6;
	v8 =	vmax.f32 v8, v54  }
0x157: {  	[tilespmem:s6+$0x0] =	vst v8  }
0x158: {  	v8 =	vld.idx.msk [tilespmem:v55+s26+$0x0], $0xffff  }
0x159: {  	v57 =	vld.idx.msk [tilespmem:v56+s26+$0x0], $0xffff;
	_ =	sdelay $0x1  }
0x15a: {  	v58 =	vor.u32 s11, v4  }
0x15b: {  	v59 =	vor.u32 s11, v5;
	_ =	sdelay $0x1  }
0x15c: {  	v8 =	vmax.f32 v8, v57  }
0x15d: {  	[tilespmem:s6+$0x10] =	vst v8  }
0x15e: {  	v8 =	vld.idx.msk [tilespmem:v58+s26+$0x0], $0xffff  }
0x15f: {  	v60 =	vld.idx.msk [tilespmem:v59+s26+$0x0], $0xffff;
	_ =	sdelay $0x1  }
0x160: {  	v61 =	vor.u32 s11, v6  }
0x161: {  	v62 =	vor.u32 s11, v7;
	_ =	sdelay $0x1  }
0x162: {  	v8 =	vmax.f32 v8, v60  }
0x163: {  	[tilespmem:s6+$0x20] =	vst v8  }
0x164: {  	v8 =	vld.idx.msk [tilespmem:v61+s26+$0x0], $0xffff  }
0x165: {  	v63 =	vld.idx.msk [tilespmem:v62+s26+$0x0], $0xffff;
	_ =	sdelay $0x2  }
0x166: {  	s2 =	sadd.s32 $0x1, s2  }
0x167: {  	s16 =	sadd.s32 s16, s10;
	p0 =	sne.s32 s2, $0x32  }
.Ltmp4:
0x168: {  	s11 =	sshll.u32 s16, $0x4;
	v8 =	vmax.f32 v8, v63;
	(pc) =	sbr.rel @p0 .LBB2_2-.Ltmp4, $4  }
0x169: {  	s28 =	sadd.s32 s3, s11;
	[tilespmem:s6+$0x30] =	vst v8  }
0x16a: {  	[hbm4b:s28+s4] =	stream.linear.scatter [tilespmem:s26], [sflag:$0x8], $0x4000, $0x38;
	[tilespmem:$0x1E400] =	vst v63  }
0x16b: {  	s29 =	sadd.s32 s5, s11  }
0x16c: {  	[hbm4b:s29+s4] =	stream.linear.scatter [tilespmem:s21], [sflag:$0xA], $0x4000, $0x38;
	[tilespmem:$0x1E400] =	vst v63  }
0x16d: {  	s2 =	simm.s32 $0x5  }
0x16e: {  	_ =	swait.ge [sflag:s2], $0x4000  }
0x16f: {  	[sflag:s2] =	ssyncset.done $0x0  }
0x170: {  	s28 =	simm.s32 $0x6;
	[sflag:s2] =	ssyncadd.s32 $0xFFFFC000  }
0x171: {  	_ =	swait.ge [sflag:s28], $0x4000  }
0x172: {  	[sflag:s28] =	ssyncset.done $0x0  }
0x173: {  	[sflag:s28] =	ssyncadd.s32 $0xFFFFC000  }
0x174: {  	_ =	swait.ge [sflag:s30], $0x4000  }
0x175: {  	[sflag:s30] =	ssyncset.done $0x0  }
0x176: {  	[sflag:s30] =	ssyncadd.s32 $0xFFFFC000  }
0x177: {  	_ =	swait.ge [sflag:s31], $0x4000  }
0x178: {  	[sflag:s31] =	ssyncset.done $0x0  }
0x179: {  	[sflag:s31] =	ssyncadd.s32 $0xFFFFC000  }
0x17a: {  	_ =	swait.ge [sflag:s23], $0x4000  }
0x17b: {  	[sflag:s23] =	ssyncset.done $0x0  }
0x17c: {  	[sflag:s23] =	ssyncadd.s32 $0xFFFFC000  }
0x17d: {  	_ =	swait.ge [sflag:s25], $0x4000  }
0x17e: {  	s0 =	sadd.s32 $0x1, s0;
	s29 =	rddreg [dreg:$0x6]  }
0x17f: {  	p0 =	sne.s32 s0, s29  }
.Ltmp5:
0x180: {  	_ = 	snop;
	(pc) =	sbr.rel @p0 .LBB2_1-.Ltmp5, $3  }
0x181: {  	_ =	sdelay $0x1  }
0x182: {  	[sflag:s25] =	ssyncset.done $0x0  }
0x183: {  	[sflag:s25] =	ssyncadd.s32 $0xFFFFC000  }
0x184: {  	_ =	sfence.sel $0x180000  }
0x185: {  	[bflag:$0x0] =	sbarrier.arrive $0xFFFF  }
0x186: {  	_ =	strace $0x90000047  }
0x187: {  	s0 =	stileid.u32;
	[bflag:$0x2] =	sbarrier.arrive $0xFFFF  }
0x188: {  	p0 =	sne.s32 s0, $0x0;
	s0 =	rddreg [dreg:$0x4]  }
0x189: {  	s0 =	sadd.s32 @!p0 $0x100000, s0  }
0x18a: {  	[sflag:s0] =	ssyncadd.tile.s32 @!p0 $0x1;
	_ =	shalt  }
.Lfunc_end2:
_tile_overlayer_lowered:
.L_overlay_start_2:
0x18b: {  	(tag) =	ssettag $0x2  }
0x18c: {  	s0 =	rddreg [dreg:$0x0];
	s2 =	stileid.u32  }
0x18d: {  	s1 =	rddreg [dreg:$0x1];
	p0 =	sne.s32 s2, $0x0  }
0x18e: {  	s3 =	rddreg [dreg:$0x2];
	[bflag:$0x3] =	sbarrier.arrive $0xFFFF;
	s2 =	simm.s32 @!p0 $0x1C0B  }
0x18f: {  	[timem:s3], [sflag:s2] =	dma.local @!p0 [hbm:s0], s1  }
0x190: {  	s0 =	simm.s32 @!p0 $0xB  }
0x191: {  	_ =	swait.ge @!p0 [sflag:s0], s1  }
0x192: {  	s1 =	ssub.s32 @!p0 $0x0, s1;
	[sflag:s0] =	ssyncset.done @!p0 $0x0  }
0x193: {  	[sflag:s0] =	ssyncadd.s32 @!p0 s1  }
0x194: {  	[bflag:$0x3] =	sbarrier.arrive $0xFFFF  }
0x195: {  	_ =	shalt  }

// kernel: sparse-core-data-format-call.cloned.1.call-start
scs
called_computation_lowered:
.L_overlay_start_0:
0x0: {  	s2 =	sld [smem:$0x3FD9]  }
0x1: {  	s3 =	sld [smem:$0x3FFE];
	_ =	sdelay $0x1  }
0x2: {  	s1 =	srdreg.scid  }
0x3: {  	s0 =	sand.u32 $0x1, s1  }
0x4: {  	s15 =	sshll.u32 s0, $0xA;
	s2 =	sadd.s32 s3, s2  }
0x5: {  	s2 =	sadd.s32 s2, s15  }
0x6: {  	[smem:$0x3FC6] =	sst s2  }
0x7: {  	_ = 	snop  }
0x8: {  	s2 =	sld [smem:$0x3FD0];
	_ =	sdelay $0x2  }
0x9: {  	s16 =	simm.s32 $0xA;
	s4 =	simm.s32 $0x10  }
0xa: {  	[smem:s4], [sflag:s16] =	dma.local [hbm:s2], $0x1  }
0xb: {  	_ =	swait.eq [sflag:s16], $0x1  }
0xc: {  	[sflag:s16] =	ssyncset.done $0x0  }
0xd: {  	[sflag:s16] =	ssyncadd.s32 $0xFFFFFFFF  }
0xe: {  	s17 =	sld [smem:$0x11];
	(tm) =	ssettm $0x1  }
0xf: {  	s18 =	sld [smem:$0x3FFB];
	_ =	sdelay $0x3  }
0x10: {  	_ =	strace s18  }
0x11: {  	s3 =	sld [smem:$0x3FFC];
	_ =	sdelay $0x3  }
0x12: {  	_ =	strace s3  }
0x13: {  	s3 =	sld [smem:$0x3FFD];
	_ =	sdelay $0x3  }
0x14: {  	_ =	strace s3  }
0x15: {  	_ =	strace $0x8FFFFFFF  }
0x16: {  	s19 =	sld [smem:$0x3FDB];
	_ =	sdelay $0x1  }
0x17: {  	s20 =	simm.s32 $_scs_section_size  }
0x18: {  	s5 =	simm.s32 $_size__tile_overlayer_lowered;
	s6 =	simm.s32 $_tile_overlayer_lowered  }
0x19: {  	s23 =	simm.s32 $0x1BFF;
	s22 =	sshll.u32 s6, $0x1;
	s3 =	sadd.s32 s20, s19  }
0x1a: {  	s7 =	simm.s32 $0x0;
	s21 =	sshll.u32 s5, $0x1;
	s5 =	sadd.s32 s22, s3  }
0x1b: {  	[timem:s7], [sflag:s23] =	dma.local [hbm:s5], s21  }
0x1c: {  	_ =	swait.ge [sflag:s23], s21  }
0x1d: {  	s4 =	ssub.s32 $0x0, s21;
	[sflag:s23] =	ssyncset.done $0x0  }
0x1e: {  	[sflag:s23] =	ssyncadd.s32 s4;
	_ =	sdelay $0x1  }
0x1f: {  	s24 =	simm.s32 $0x1B8B  }
0x20: {  	_ =	swait.ge [sflag:s24], $0x1  }
0x21: {  	[sflag:s24] =	ssyncset.done $0x0  }
0x22: {  	s26 =	simm.s32 $0x1B8E;
	s25 =	sld [smem:$0x3FFE];
	[sflag:s24] =	ssyncadd.s32 $0xFFFFFFFF  }
0x23: {  	s27 =	simm.s32 $execute0_lowered;
	[smem:$0x3FD2] =	sst s26  }
0x24: {  	s5 =	sshll.u32 s27, $0x1;
	_ =	strace $0x80000049;
	[dreg:$0x1] =	wrdreg $0xFFFFFFFF  }
0x25: {  	s28 =	simm.s32 $_size_execute0_lowered;
	s3 =	sadd.s32 s3, s5;
	[dreg:$0x0] =	wrdreg $0x0  }
0x26: {  	s5 =	sshll.u32 s28, $0x1;
	[dreg:$0x2] =	wrdreg s3  }
0x27: {  	[dreg:$0x3] =	wrdreg s5  }
0x28: {  	[dreg:$0x4] =	wrdreg $0xC0  }
0x29: {  	_ =	task [dreg:s7], $0x5FFFF  }
0x2a: {  	[dreg:$0x1] =	wrdreg $0xFFFFFFFF  }
0x2b: {  	[dreg:$0x0] =	wrdreg $0x60  }
0x2c: {  	[dreg:$0x2] =	wrdreg s25  }
0x2d: {  	[dreg:$0x3] =	wrdreg s17  }
0x2e: {  	[dreg:$0x4] =	wrdreg $0x9  }
0x2f: {  	_ =	task.clear_ibuf [dreg:s7], $0x5FFFF;
	_ =	strace $0x90000049  }
0x30: {  	s29 =	simm.s32 $0x9;
	_ =	strace $0x8000004B  }
0x31: {  	_ =	swait.ge [sflag:s29], $0x1  }
0x32: {  	[sflag:s29] =	ssyncadd.s32 $0xFFFFFFFF  }
0x33: {  	_ =	strace $0x9000004B  }
0x34: {  	_ =	sfence  }
0x35: {  	s30 =	sld [smem:$0x0];
	_ =	sdelay $0x2  }
0x36: {  	s31 =	sshll.u32 s1, $0xD;
	s1 =	sshrl.u32 s1, $0x2  }
0x37: {  	s3 =	sand.u32 $0x4000, s31;
	s1 =	sadd.s32 s1, s30  }
0x38: {  	s0 =	sor.u32 s3, s0;
	s1 =	sshll.u32 s1, $0x11  }
0x39: {  	s0 =	sor.u32 s1, s0  }
0x3a: {  	s0 =	sadd.s32 $0x8F2B, s0  }
0x3b: {  	[sflag:s0] =	ssyncadd.remote.s32 $0x1  }
0x3c: {  	_ =	sfence.sel $0xFFFF  }
0x3d: {  	[dreg:$0x0] =	wrdreg $0xFFFFFFFF;
	(pc) =	sbr.abs _section_cstart, $3  }
0x3e: {  	[dreg:$0x1] =	wrdreg $0xFFFFFFFF  }
0x3f: {  	_ =	task.clear_ibuf [dreg:s7], $0x2FFFF;
	_ =	strace $0x9FFFFFFF  }
0x40: {  	(tm) =	ssettm $0x7FFFFFFF  }
0x41: {  	_ =	shalt  }
tec
execute0_lowered:
.L_overlay_start_1:
0x0: {  	(tag) =	ssettag $0x1  }
0x1: {  	s0 =	srdreg.scid  }
0x2: {  	s1 =	sshll.u32 s0, $0x4  }
0x3: {  	s0 =	stileid.u32;
	s1 =	sand.u32 $0x10, s1  }
0x4: {  	s1 =	sor.u32 s0, s1  }
0x5: {  	s6 =	rddreg [dreg:$0x0];
	s4 =	simm.s32 $0x1;
	s2 =	sshll.u32 s1, $0x7  }
0x6: {  	s7 =	simm.s32 $0x2;
	s12 =	simm.s32 $0x0;
	s1 =	ssub.s32 $0x1000, s2  }
0x7: {  	s8 =	simm.s32 $0x8000;
	s13 =	simm.s32 $0x0;
	s3 =	sand.u32 $0xF80, s1  }
0x8: {  	s9 =	simm.s32 $0x0;
	s5 =	sshrl.u32 s1, $0xC;
	p0 =	sne.s32 s3, $0x0  }
.Ltmp0:
0x9: {  	s1 =	rddreg [dreg:$0x2];
	s4 =	simm.s32 @!p0 $0x0;
	(pc) =	sbr.rel .LBB1_1-.Ltmp0, $4  }
0xa: {  	s11 =	simm.s32 $0x0;
	s3 =	rddreg [dreg:$0x1];
	s5 =	sadd.s32 s4, s5  }
0xb: {  	_ =	strace $0x8000004A;
	s4 =	simm.s32 $0x1;
	s5 =	smul.u32 $0xC8, s5  }
0xc: {  	s6 =	sadd.s32 $0xC00, s6;
	s10 =	smov.u32 s2;
	[sflag:s4] =	ssyncpa.u1 $0x0  }
0xd: {  	p0 =	por $0x0, $0x0;
	[sflag:s7] =	ssyncpa.u1 $0x0;
	s7 =	sor.u32 $0x1, s5  }
.LBB1_4:
0xe: {  	s16 =	sshll.u32 s13, $0x3;
	s17 =	sand.u32 $0x78, s13  }
0xf: {  	s30 =	sand.u32 $0x7E00, s13;
	s12 =	sshll.u32 s12, $0xF;
	s16 =	sand.u32 $0xC00, s16  }
0x10: {  	[tilespmem:s15+$0x810 ss:$0x81] =	vst.msk $0xffff, v2;
	s31 =	sand.u32 $0x7, s13;
	s16 =	sor.u32 s17, s16;
	s17 =	sadd.s32 s3, s30  }
0x11: {  	[tilespmem:s15+$0x1020 ss:$0x81] =	vst.msk $0xffff, v0;
	s13 =	sshll.u32 s31, $0x12;
	s12 =	sadd.s32 s12, s17;
	s16 =	sshrl.u32 s16, $0x3  }
0x12: {  	[tilespmem:s15+$0x0 ss:$0x81] =	vst.msk $0xffff, v1;
	s13 =	sor.u32 $0x400, s13;
	s12 =	sadd.s32 s16, s12  }
0x13: {  	[hbm4b:s12+s13] =	stream.strided.scatter [tilespmem:s14], [sflag:$0x2], $0x2000, s8, s13, $0x20;
	[tilespmem:$0x8080] =	vst v63  }
.LBB1_5:
0x14: {  	s14 =	sadd.s32 $0x1, s9  }
0x15: {  	s12 =	sadd.s32 $0x1000, s10;
	s16 =	smov.u32 s10;
	p2 =	sgt.s32 s14, $0xC7  }
0x16: {  	s16 =	smov.u32 @p2 s12  }
0x17: {  	s14 =	simm.s32 @p2 $0x0;
	p2 =	sgt.s32 s16, $0xFFF  }
0x18: {  	s16 =	smov.u32 @p2 s2;
	p2 =	sne.s32 s11, s7  }
.Ltmp1:
0x19: {  	p1 =	slt.u32 s11, $0x2;
	(pc) =	sbr.rel @!p2 .LBB1_6-.Ltmp1, $4  }
0x1a: {  	s15 =	simm.s32 @!p1 $0x2  }
0x1b: {  	s13 =	smov.u32 s10;
	p0 =	por !p0, !p0;
	_ =	swait.ge @!p1 [sflag:s15], $0x2000  }
0x1c: {  	s12 =	smov.u32 s9;
	[sflag:s15] =	ssyncset.done @!p1 $0x0;
	s9 =	smov.u32 s14  }
0x1d: {  	s11 =	sadd.s32 $0x1, s11;
	[sflag:s15] =	ssyncadd.s32 @!p1 $0xFFFFE000;
	s10 =	smov.u32 s16  }
.LBB1_1:
0x1e: {  	p1 =	sge.u32 s11, s5  }
0x1f: {  	s14 =	sand.u32 @!p1 $0x1FFFFFF, s9  }
0x20: {  	s15 =	smulhi.u32 @!p1 $0x147AE15, s14;
	_ =	sdelay $0x1  }
0x21: {  	s15 =	smul.u32 @!p1 $0xC8, s15  }
0x22: {  	s16 =	sxor.u32 @!p1 $0xFFFFFFFF, s11;
	s17 =	smul.u32 @!p1 $0xC80, s10  }
0x23: {  	s31 =	sadd.s32 $0xFFFFFFFF, s11;
	s16 =	sshll.u32 @!p1 s16, $0xD;
	s14 =	ssub.s32 @!p1 s14, s15  }
0x24: {  	s15 =	sand.u32 @!p1 $0x2000, s16;
	s16 =	sadd.s32 @!p1 s6, s17;
	s14 =	sshll.u32 @!p1 s14, $0x4  }
0x25: {  	s17 =	simm.s32 @!p1 $0x6400;
	s14 =	sadd.s32 @!p1 s14, s16;
	s16 =	simm.s32 @!p1 $0x40  }
0x26: {  	[tilespmem:s15], [sflag:$0x1] =	stream.strided.gather @!p1 [hbm4b:s14+s16], $0x2000, s17, s16, $0x38;
	[tilespmem:$0x8080] =	vst v63  }
0x27: {  	p1 =	sge.u32 s31, s5  }
.Ltmp2:
0x28: {  	_ = 	snop;
	(pc) =	sbr.rel @p1 .LBB1_5-.Ltmp2, $1  }
0x29: {  	_ =	sdelay $0x3  }
0x2a: {  	s14 =	simm.s32 $0x1  }
0x2b: {  	_ =	swait.ge [sflag:s4], $0x2000;
	s14 =	simm.s32 @!p0 $0x0  }
0x2c: {  	[sflag:s4] =	ssyncset.done $0x0;
	s15 =	sshll.u32 s14, $0xD  }
0x2d: {  	[sflag:s4] =	ssyncadd.s32 $0xFFFFE000;
	s18 =	sor.u32 $0x20, s15  }
0x2e: {  	s14 =	smul.u32 $0x8100, s14;
	v3 =	vld [tilespmem:s18+$0x10]  }
0x2f: {  	s30 =	sand.u32 $0x1, s11;
	v2 =	vld [tilespmem:s18+$0xFFFFFFF0]  }
0x30: {  	s15 =	smul.u32 $0x8100, s30;
	s14 =	sshrl.u32 s14, $0x2;
	v0 =	vld [tilespmem:s18+$0x0]  }
0x31: {  	v1 =	vld [tilespmem:s18+$0xFFFFFFE0];
	s16 =	sor.u32 $0x4000, s14  }
0x32: {  	s31 =	sshrl.u32 s15, $0x2;
	s15 =	sadd.s32 $0x0, s16  }
0x33: {  	s17 =	simm.s32 $0x4;
	s18 =	sadd.s32 $0x40, s18;
	s14 =	sor.u32 $0x4000, s31;
	[tilespmem:s15+$0x1830 ss:$0x81] =	vst.msk $0xffff, v3  }
.LBB1_3:
0x34: {  	v3 =	vld [tilespmem:s18+$0x10];
	p1 =	sne.s32 s17, $0x1FC;
	[tilespmem:s15+$0x810 ss:$0x81] =	vst.msk $0xffff, v2;
	s19 =	smov.u32 s17;
	s17 =	sadd.s32 $0x4, s17  }
.Ltmp3:
0x35: {  	v2 =	vld [tilespmem:s18+$0xFFFFFFF0];
	[tilespmem:s15+$0x1020 ss:$0x81] =	vst.msk $0xffff, v0;
	(pc) =	sbr.rel @p1 .LBB1_3-.Ltmp3, $4  }
0x36: {  	v0 =	vld [tilespmem:s18+$0x0];
	[tilespmem:s15+$0x0 ss:$0x81] =	vst.msk $0xffff, v1  }
0x37: {  	s15 =	sshra.s32 s19, $0x2;
	v1 =	vld [tilespmem:s18+$0xFFFFFFE0]  }
0x38: {  	s15 =	sadd.s32 s15, s16  }
0x39: {  	s18 =	sadd.s32 $0x40, s18;
	[tilespmem:s15+$0x1830 ss:$0x81] =	vst.msk $0xffff, v3  }
.Ltmp4:
0x3a: {  	_ = 	snop;
	(pc) =	sbr.rel .LBB1_4-.Ltmp4, $1  }
0x3b: {  	_ =	sdelay $0x3  }
.LBB1_6:
0x3c: {  	_ =	sfence.sel $0x180000  }
0x3d: {  	s2 =	simm.s32 $0x1;
	[bflag:$0x0] =	sbarrier.arrive $0xFFFF  }
0x3e: {  	s31 =	simm.s32 $0x2;
	[sflag:s2] =	ssyncpa.u1 $0x1  }
0x3f: {  	[sflag:s31] =	ssyncpa.u1 $0x1  }
0x40: {  	p0 =	sne.s32 s0, $0x0;
	_ =	strace $0x9000004A  }
0x41: {  	s0 =	sadd.s32 @!p0 $0x100000, s1;
	[bflag:$0x2] =	sbarrier.arrive $0xFFFF  }
0x42: {  	[sflag:s0] =	ssyncadd.tile.s32 @!p0 $0x1;
	_ =	shalt  }
.Lfunc_end1:
_tile_overlayer_lowered:
.L_overlay_start_2:
0x43: {  	(tag) =	ssettag $0x2  }
0x44: {  	s0 =	rddreg [dreg:$0x0];
	s2 =	stileid.u32  }
0x45: {  	s1 =	rddreg [dreg:$0x1];
	p0 =	sne.s32 s2, $0x0  }
0x46: {  	s3 =	rddreg [dreg:$0x2];
	[bflag:$0x3] =	sbarrier.arrive $0xFFFF;
	s2 =	simm.s32 @!p0 $0x1C01  }
0x47: {  	[timem:s3], [sflag:s2] =	dma.local @!p0 [hbm:s0], s1  }
0x48: {  	s0 =	simm.s32 @!p0 $0x1  }
0x49: {  	_ =	swait.ge @!p0 [sflag:s0], s1  }
0x4a: {  	s1 =	ssub.s32 @!p0 $0x0, s1;
	[sflag:s0] =	ssyncset.done @!p0 $0x0  }
0x4b: {  	[sflag:s0] =	ssyncadd.s32 @!p0 s1  }
0x4c: {  	[bflag:$0x3] =	sbarrier.arrive $0xFFFF  }
0x4d: {  	_ =	shalt  }

</sc_bundles>
